<compile_context>
chip_gen: v7x
topology: tpu7x:2x2x1
jax: 0.10.2.dev20260603
libtpu: 0.0.44.dev20260713+nightly
codegen_flags: <defaults>
</compile_context>

<pallas_src>
import functools

import jax
import jax.numpy as jnp
from jax import lax
from jax.experimental import pallas as pl
from jax.experimental.pallas import tpu as pltpu
from jax.experimental.pallas import tpu_sc as plsc

N_NODES = 10000
D_FEAT = 128
N_EDGES = 320000

NC = 2
NS = 16
NW = NC * NS
CHUNK = 64
N_CHUNKS = 158
E_PER_TILE = N_CHUNKS * CHUNK
E_PAD = NW * E_PER_TILE
N_PAD = 10240
ROWS_PER_TILE = N_PAD // NS


def _sc_segment_sum(feature, src, dst):
    mesh = plsc.VectorSubcoreMesh(core_axis_name="c", subcore_axis_name="s")

    @functools.partial(
        pl.kernel,
        out_type=jax.ShapeDtypeStruct((NC, N_PAD, D_FEAT), jnp.float32),
        mesh=mesh,
        scratch_types=[
            [pltpu.VMEM((CHUNK,), jnp.int32)] * 2,
            [pltpu.VMEM((CHUNK,), jnp.int32)] * 2,
            [pltpu.VMEM((CHUNK, D_FEAT), jnp.float32)] * 2,
            pltpu.VMEM_SHARED((N_PAD, D_FEAT), jnp.float32),
            [pltpu.SemaphoreType.DMA] * 2,
            [pltpu.SemaphoreType.DMA] * 2,
        ],
    )
    def k(feature_hbm, src_hbm, dst_hbm, out_hbm, sbufs, dbufs, rows, acc_sh,
          isems, gsems):
        c = lax.axis_index("c")
        s = lax.axis_index("s")
        base = (c * NS + s) * E_PER_TILE

        def fire_idx(j, b):
            off = pl.multiple_of(base + j * CHUNK, 8)
            pltpu.async_copy(src_hbm.at[pl.ds(off, CHUNK)], sbufs[b],
                             isems[b])
            pltpu.async_copy(dst_hbm.at[pl.ds(off, CHUNK)], dbufs[b],
                             isems[b])

        def wait_idx(b):
            pltpu.make_async_copy(src_hbm.at[pl.ds(0, CHUNK)], sbufs[b],
                                  isems[b]).wait()
            pltpu.make_async_copy(dst_hbm.at[pl.ds(0, CHUNK)], dbufs[b],
                                  isems[b]).wait()

        def fire_gather(b):
            pltpu.async_copy(feature_hbm.at[sbufs[b]], rows[b], gsems[b])

        def wait_gather(b):
            pltpu.make_async_copy(feature_hbm.at[sbufs[b]], rows[b],
                                  gsems[b]).wait()

        fire_idx(0, 0)
        fire_idx(1, 1)

        zv = jnp.zeros((16,), jnp.float32)

        def zfill(r, _):
            for q in range(D_FEAT // 16):
                rows[0][r, pl.ds(q * 16, 16)] = zv
            return 0

        lax.fori_loop(0, CHUNK, zfill, 0)

        row0 = s * ROWS_PER_TILE
        for rep in range(ROWS_PER_TILE // CHUNK):
            pltpu.sync_copy(rows[0],
                            acc_sh.at[pl.ds(row0 + rep * CHUNK, CHUNK)])

        plsc.subcore_barrier()

        wait_idx(0)
        fire_gather(0)

        def outer(g, _):
            for b in range(2):
                j = g * 2 + b
                wait_gather(b)

                @pl.when(j + 1 < N_CHUNKS)
                def _():
                    wait_idx(1 - b)
                    fire_gather(1 - b)

                pltpu.sync_copy(rows[b], acc_sh.at[dbufs[b]], add=True)

                @pl.when(j + 2 < N_CHUNKS)
                def _():
                    fire_idx(j + 2, b)
            return 0

        lax.fori_loop(0, N_CHUNKS // 2, outer, 0)

        plsc.subcore_barrier()

        pltpu.sync_copy(
            acc_sh.at[pl.ds(row0, ROWS_PER_TILE)],
            out_hbm.at[c, pl.ds(row0, ROWS_PER_TILE)],
        )

    return k(feature, src, dst)


def _tc_apply(p0, p1, feature, W, b2d):
    BR = 2000

    def body(p0_ref, p1_ref, f_ref, w_ref, b_ref, o_ref):
        agg = p0_ref[...] + p1_ref[...]
        z = jnp.dot(agg, w_ref[...], preferred_element_type=jnp.float32)
        o_ref[...] = jnp.maximum(z + b_ref[...], 0.0) + f_ref[...]

    return pl.pallas_call(
        body,
        grid=(N_NODES // BR,),
        in_specs=[
            pl.BlockSpec((BR, D_FEAT), lambda i: (i, 0)),
            pl.BlockSpec((BR, D_FEAT), lambda i: (i, 0)),
            pl.BlockSpec((BR, D_FEAT), lambda i: (i, 0)),
            pl.BlockSpec((D_FEAT, D_FEAT), lambda i: (0, 0)),
            pl.BlockSpec((1, D_FEAT), lambda i: (0, 0)),
        ],
        out_specs=pl.BlockSpec((BR, D_FEAT), lambda i: (i, 0)),
        out_shape=jax.ShapeDtypeStruct((N_NODES, D_FEAT), jnp.float32),
    )(p0, p1, feature, W, b2d)


def kernel(feature, edge_index, W, b):
    npad = E_PAD - N_EDGES
    src = jnp.concatenate(
        [edge_index[0], jnp.zeros((npad,), jnp.int32)])
    dst = jnp.concatenate(
        [edge_index[1], jnp.full((npad,), N_PAD - 1, jnp.int32)])
    partials = _sc_segment_sum(feature, src, dst)
    return _tc_apply(partials[0, :N_NODES], partials[1, :N_NODES], feature, W,
                     b.reshape(1, D_FEAT))

# --- scband reference (transcript-rebuilt; emitter-appended) ---
"""Pipeline reference for scband-gcnconv-27616639713353 (READ-ONLY COPY).

The authoritative reference and input builder live on the scoring server;
editing this copy changes nothing except your own understanding.
"""

import jax, jax.numpy as jnp
import numpy as np

N_NODES = 10000
N_EDGES = 320000
D_FEAT = 128


def setup_inputs(seed: int = 0) -> dict:
    key = jax.random.key(seed)
    k1, k2, k3, k4 = jax.random.split(key, 4)
    feature = jax.random.normal(k1, (N_NODES, D_FEAT), dtype=jnp.float32)
    edge_index = jax.random.randint(k2, (2, N_EDGES), 0, N_NODES, dtype=jnp.int32)
    # nn.Linear(in_feats=128, out_feats=128) parameters
    W = jax.random.normal(k3, (D_FEAT, D_FEAT), dtype=jnp.float32) * 0.05
    b = jax.random.normal(k4, (D_FEAT,), dtype=jnp.float32) * 0.05
    return {"feature": feature, "edge_index": edge_index, "W": W, "b": b}


def reference(feature, edge_index, W, b):
    # gcn_msg: copy src node feature 'h' -> message 'm' (gather)
    src = edge_index[0]
    dst = edge_index[1]
    msgs = jnp.take(feature, src, axis=0)  # [E, D]
    # gcn_reduce: sum messages at destination nodes (scatter-add / segment_sum)
    agg = jax.ops.segment_sum(msgs, dst, num_segments=N_NODES)  # [N, D]
    # NodeApplyModule: linear + activation
    z = jax.nn.relu(agg @ W + b)
    # residual: in_feats == out_feats -> identity down projection
    z = z + feature
    return z

if __name__ == "__main__":
    import jax
    _d = setup_inputs()
    print(jax.jit(kernel)(*tuple(_d.values())))

</pallas_src>

<mosaic_0001>
#map = affine_map<(d0, d1) -> (0, 0)>
#map1 = affine_map<(d0, d1) -> (0)>
#map2 = affine_map<(d0, d1) -> (0, 0, 0)>
module attributes {stable_mosaic.version = 14 : i64} {
  func.func @k(%arg0: i32, %arg1: i32, %arg2: memref<10000x128xf32, #tpu.memory_space<hbm>>, %arg3: memref<323584xi32, #tpu.memory_space<hbm>>, %arg4: memref<323584xi32, #tpu.memory_space<hbm>>, %arg5: memref<2x10240x128xf32, #tpu.memory_space<hbm>>, %arg6: memref<64xi32, #tpu.memory_space<vmem>>, %arg7: memref<64xi32, #tpu.memory_space<vmem>>, %arg8: memref<64xi32, #tpu.memory_space<vmem>>, %arg9: memref<64xi32, #tpu.memory_space<vmem>>, %arg10: memref<64x128xf32, #tpu.memory_space<vmem>>, %arg11: memref<64x128xf32, #tpu.memory_space<vmem>>, %arg12: memref<10240x128xf32, #tpu.memory_space<vmem_shared>>, %arg13: memref<!tpu.dma_semaphore, #tpu.memory_space<semaphore_mem>>, %arg14: memref<!tpu.dma_semaphore, #tpu.memory_space<semaphore_mem>>, %arg15: memref<!tpu.dma_semaphore, #tpu.memory_space<semaphore_mem>>, %arg16: memref<!tpu.dma_semaphore, #tpu.memory_space<semaphore_mem>>) attributes {dimension_semantics = [#tpu.dimension_semantics<core_parallel>, #tpu.dimension_semantics<subcore_parallel>], iteration_bounds = array<i64: 2, 16>, scalar_prefetch = 0 : i64, scratch_operands = 11 : i64, tpu.core_type = #tpu.core_type<sc_vector_subcore>, window_params = [{transform_indices = #map}, {transform_indices = #map1}, {transform_indices = #map1}, {transform_indices = #map2}]} {
    %mul3A = arith.constant 16 : i32
    %mul3A_0 = arith.muli %arg0, %mul3A : i32
    %add3A = arith.addi %mul3A_0, %arg1 : i32
    %mul3A_1 = arith.constant 10112 : i32
    %mul3A_2 = arith.muli %add3A, %mul3A_1 : i32
    %add3A_3 = arith.constant 0 : i32
    %add3A_4 = arith.addi %mul3A_2, %add3A_3 : i32
    %multiple_of3A = tpu.assume_multiple %add3A_4, 8 : i32
    %dma_start3A = tpu.memref_slice %arg3[%multiple_of3A] : memref<323584xi32, #tpu.memory_space<hbm>> -> memref<64xi32, #tpu.memory_space<hbm>>
    %dma_start3A_5 = tpu.memref_slice %arg3[%multiple_of3A] : memref<323584xi32, #tpu.memory_space<hbm>> -> memref<64xi32, #tpu.memory_space<hbm>>
    tpu.enqueue_dma source(%dma_start3A_5 : memref<64xi32, #tpu.memory_space<hbm>>) target(%arg6 : memref<64xi32, #tpu.memory_space<vmem>>) target_semaphore(%arg13 : memref<!tpu.dma_semaphore, #tpu.memory_space<semaphore_mem>>)
    %dma_start3A_6 = tpu.memref_slice %arg4[%multiple_of3A] : memref<323584xi32, #tpu.memory_space<hbm>> -> memref<64xi32, #tpu.memory_space<hbm>>
    %dma_start3A_7 = tpu.memref_slice %arg4[%multiple_of3A] : memref<323584xi32, #tpu.memory_space<hbm>> -> memref<64xi32, #tpu.memory_space<hbm>>
    tpu.enqueue_dma source(%dma_start3A_7 : memref<64xi32, #tpu.memory_space<hbm>>) target(%arg8 : memref<64xi32, #tpu.memory_space<vmem>>) target_semaphore(%arg13 : memref<!tpu.dma_semaphore, #tpu.memory_space<semaphore_mem>>)
    %add3A_8 = arith.constant 64 : i32
    %add3A_9 = arith.addi %mul3A_2, %add3A_8 : i32
    %multiple_of3A_10 = tpu.assume_multiple %add3A_9, 8 : i32
    %dma_start3A_11 = tpu.memref_slice %arg3[%multiple_of3A_10] : memref<323584xi32, #tpu.memory_space<hbm>> -> memref<64xi32, #tpu.memory_space<hbm>>
    %dma_start3A_12 = tpu.memref_slice %arg3[%multiple_of3A_10] : memref<323584xi32, #tpu.memory_space<hbm>> -> memref<64xi32, #tpu.memory_space<hbm>>
    tpu.enqueue_dma source(%dma_start3A_12 : memref<64xi32, #tpu.memory_space<hbm>>) target(%arg7 : memref<64xi32, #tpu.memory_space<vmem>>) target_semaphore(%arg14 : memref<!tpu.dma_semaphore, #tpu.memory_space<semaphore_mem>>)
    %dma_start3A_13 = tpu.memref_slice %arg4[%multiple_of3A_10] : memref<323584xi32, #tpu.memory_space<hbm>> -> memref<64xi32, #tpu.memory_space<hbm>>
    %dma_start3A_14 = tpu.memref_slice %arg4[%multiple_of3A_10] : memref<323584xi32, #tpu.memory_space<hbm>> -> memref<64xi32, #tpu.memory_space<hbm>>
    tpu.enqueue_dma source(%dma_start3A_14 : memref<64xi32, #tpu.memory_space<hbm>>) target(%arg9 : memref<64xi32, #tpu.memory_space<vmem>>) target_semaphore(%arg14 : memref<!tpu.dma_semaphore, #tpu.memory_space<semaphore_mem>>)
    %broadcast_in_dim3A = arith.constant 0.000000e+00 : f32
    %broadcast_in_dim3A_15 = vector.broadcast %broadcast_in_dim3A : f32 to vector<16xf32>
    %scan3A = arith.constant 0 : i32
    %scan3A_16 = arith.constant 0 : i32
    %scan3A_17 = arith.constant 64 : i32
    %scan3A_18 = arith.addi %scan3A_16, %scan3A_17 : i32
    %scan3A_19 = arith.constant 1 : i32
    %scan3A_20 = scf.for %scan3A_62 = %scan3A_16 to %scan3A_18 step %scan3A_19 iter_args(%scan3A_63 = %scan3A) -> (i32)  : i32 {
      %swap3A = arith.index_cast %scan3A_62 : i32 to index
      %swap3A_64 = arith.constant 0 : index
      %swap3A_65 = tpu.vector_load %arg10[%swap3A, %swap3A_64] {strides = array<i32>} : memref<64x128xf32, #tpu.memory_space<vmem>>, vector<1x16xf32>,
      %swap3A_66 = vector.shape_cast %swap3A_65 : vector<1x16xf32> to vector<16xf32>
      %swap3A_67 = vector.shape_cast %broadcast_in_dim3A_15 : vector<16xf32> to vector<1x16xf32>
      tpu.vector_store %arg10[%swap3A, %swap3A_64], %swap3A_67 {strides = array<i32>} : memref<64x128xf32, #tpu.memory_space<vmem>>, vector<1x16xf32>,
      %swap3A_68 = arith.index_cast %scan3A_62 : i32 to index
      %swap3A_69 = arith.constant 16 : index
      %swap3A_70 = tpu.vector_load %arg10[%swap3A_68, %swap3A_69] {strides = array<i32>} : memref<64x128xf32, #tpu.memory_space<vmem>>, vector<1x16xf32>,
      %swap3A_71 = vector.shape_cast %swap3A_70 : vector<1x16xf32> to vector<16xf32>
      %swap3A_72 = vector.shape_cast %broadcast_in_dim3A_15 : vector<16xf32> to vector<1x16xf32>
      tpu.vector_store %arg10[%swap3A_68, %swap3A_69], %swap3A_72 {strides = array<i32>} : memref<64x128xf32, #tpu.memory_space<vmem>>, vector<1x16xf32>,
      %swap3A_73 = arith.index_cast %scan3A_62 : i32 to index
      %swap3A_74 = arith.constant 32 : index
      %swap3A_75 = tpu.vector_load %arg10[%swap3A_73, %swap3A_74] {strides = array<i32>} : memref<64x128xf32, #tpu.memory_space<vmem>>, vector<1x16xf32>,
      %swap3A_76 = vector.shape_cast %swap3A_75 : vector<1x16xf32> to vector<16xf32>
      %swap3A_77 = vector.shape_cast %broadcast_in_dim3A_15 : vector<16xf32> to vector<1x16xf32>
      tpu.vector_store %arg10[%swap3A_73, %swap3A_74], %swap3A_77 {strides = array<i32>} : memref<64x128xf32, #tpu.memory_space<vmem>>, vector<1x16xf32>,
      %swap3A_78 = arith.index_cast %scan3A_62 : i32 to index
      %swap3A_79 = arith.constant 48 : index
      %swap3A_80 = tpu.vector_load %arg10[%swap3A_78, %swap3A_79] {strides = array<i32>} : memref<64x128xf32, #tpu.memory_space<vmem>>, vector<1x16xf32>,
      %swap3A_81 = vector.shape_cast %swap3A_80 : vector<1x16xf32> to vector<16xf32>
      %swap3A_82 = vector.shape_cast %broadcast_in_dim3A_15 : vector<16xf32> to vector<1x16xf32>
      tpu.vector_store %arg10[%swap3A_78, %swap3A_79], %swap3A_82 {strides = array<i32>} : memref<64x128xf32, #tpu.memory_space<vmem>>, vector<1x16xf32>,
      %swap3A_83 = arith.index_cast %scan3A_62 : i32 to index
      %swap3A_84 = arith.constant 64 : index
      %swap3A_85 = tpu.vector_load %arg10[%swap3A_83, %swap3A_84] {strides = array<i32>} : memref<64x128xf32, #tpu.memory_space<vmem>>, vector<1x16xf32>,
      %swap3A_86 = vector.shape_cast %swap3A_85 : vector<1x16xf32> to vector<16xf32>
      %swap3A_87 = vector.shape_cast %broadcast_in_dim3A_15 : vector<16xf32> to vector<1x16xf32>
      tpu.vector_store %arg10[%swap3A_83, %swap3A_84], %swap3A_87 {strides = array<i32>} : memref<64x128xf32, #tpu.memory_space<vmem>>, vector<1x16xf32>,
      %swap3A_88 = arith.index_cast %scan3A_62 : i32 to index
      %swap3A_89 = arith.constant 80 : index
      %swap3A_90 = tpu.vector_load %arg10[%swap3A_88, %swap3A_89] {strides = array<i32>} : memref<64x128xf32, #tpu.memory_space<vmem>>, vector<1x16xf32>,
      %swap3A_91 = vector.shape_cast %swap3A_90 : vector<1x16xf32> to vector<16xf32>
      %swap3A_92 = vector.shape_cast %broadcast_in_dim3A_15 : vector<16xf32> to vector<1x16xf32>
      tpu.vector_store %arg10[%swap3A_88, %swap3A_89], %swap3A_92 {strides = array<i32>} : memref<64x128xf32, #tpu.memory_space<vmem>>, vector<1x16xf32>,
      %swap3A_93 = arith.index_cast %scan3A_62 : i32 to index
      %swap3A_94 = arith.constant 96 : index
      %swap3A_95 = tpu.vector_load %arg10[%swap3A_93, %swap3A_94] {strides = array<i32>} : memref<64x128xf32, #tpu.memory_space<vmem>>, vector<1x16xf32>,
      %swap3A_96 = vector.shape_cast %swap3A_95 : vector<1x16xf32> to vector<16xf32>
      %swap3A_97 = vector.shape_cast %broadcast_in_dim3A_15 : vector<16xf32> to vector<1x16xf32>
      tpu.vector_store %arg10[%swap3A_93, %swap3A_94], %swap3A_97 {strides = array<i32>} : memref<64x128xf32, #tpu.memory_space<vmem>>, vector<1x16xf32>,
      %swap3A_98 = arith.index_cast %scan3A_62 : i32 to index
      %swap3A_99 = arith.constant 112 : index
      %swap3A_100 = tpu.vector_load %arg10[%swap3A_98, %swap3A_99] {strides = array<i32>} : memref<64x128xf32, #tpu.memory_space<vmem>>, vector<1x16xf32>,
      %swap3A_101 = vector.shape_cast %swap3A_100 : vector<1x16xf32> to vector<16xf32>
      %swap3A_102 = vector.shape_cast %broadcast_in_dim3A_15 : vector<16xf32> to vector<1x16xf32>
      tpu.vector_store %arg10[%swap3A_98, %swap3A_99], %swap3A_102 {strides = array<i32>} : memref<64x128xf32, #tpu.memory_space<vmem>>, vector<1x16xf32>,
      %scan3A_103 = arith.constant 0 : i32
      scf.yield %scan3A_103 : i32
    }
    %scan3A_21 = arith.constant 64 : i32
    %mul3A_22 = arith.constant 640 : i32
    %mul3A_23 = arith.muli %arg1, %mul3A_22 : i32
    %add3A_24 = arith.constant 0 : i32
    %add3A_25 = arith.addi %mul3A_23, %add3A_24 : i32
    "tpu.region"() ({
      %run_scoped3A = tpu.sem_alloc : memref<!tpu.dma_semaphore, #tpu.memory_space<semaphore_mem>>
      %dma_start3A_62 = arith.constant 0 : i32
      %dma_start3A_63 = tpu.memref_slice %arg12[%add3A_25, %dma_start3A_62] : memref<10240x128xf32, #tpu.memory_space<vmem_shared>> -> memref<64x128xf32, #tpu.memory_space<vmem_shared>>
      %dma_start3A_64 = arith.constant 0 : i32
      %dma_start3A_65 = tpu.memref_slice %arg12[%add3A_25, %dma_start3A_64] : memref<10240x128xf32, #tpu.memory_space<vmem_shared>> -> memref<64x128xf32, #tpu.memory_space<vmem_shared>>
      tpu.enqueue_dma source(%arg10 : memref<64x128xf32, #tpu.memory_space<vmem>>) target(%dma_start3A_65 : memref<64x128xf32, #tpu.memory_space<vmem_shared>>) target_semaphore(%run_scoped3A : memref<!tpu.dma_semaphore, #tpu.memory_space<semaphore_mem>>)
      %dma_wait3A_66 = arith.constant 0 : i32
      %dma_wait3A_67 = tpu.memref_slice %arg12[%add3A_25, %dma_wait3A_66] : memref<10240x128xf32, #tpu.memory_space<vmem_shared>> -> memref<64x128xf32, #tpu.memory_space<vmem_shared>>
      %dma_wait3A_68 = arith.constant 0 : i32
      %dma_wait3A_69 = tpu.memref_slice %arg12[%add3A_25, %dma_wait3A_68] : memref<10240x128xf32, #tpu.memory_space<vmem_shared>> -> memref<64x128xf32, #tpu.memory_space<vmem_shared>>
      tpu.wait_dma2 semaphore(%run_scoped3A : memref<!tpu.dma_semaphore, #tpu.memory_space<semaphore_mem>>) src(%arg10 : memref<64x128xf32, #tpu.memory_space<vmem>>) dst(%dma_wait3A_69 : memref<64x128xf32, #tpu.memory_space<vmem_shared>>)
      tpu.yield
    }) : () -> ()
    %add3A_26 = arith.constant 64 : i32
    %add3A_27 = arith.addi %mul3A_23, %add3A_26 : i32
    "tpu.region"() ({
      %run_scoped3A = tpu.sem_alloc : memref<!tpu.dma_semaphore, #tpu.memory_space<semaphore_mem>>
      %dma_start3A_62 = arith.constant 0 : i32
      %dma_start3A_63 = tpu.memref_slice %arg12[%add3A_27, %dma_start3A_62] : memref<10240x128xf32, #tpu.memory_space<vmem_shared>> -> memref<64x128xf32, #tpu.memory_space<vmem_shared>>
      %dma_start3A_64 = arith.constant 0 : i32
      %dma_start3A_65 = tpu.memref_slice %arg12[%add3A_27, %dma_start3A_64] : memref<10240x128xf32, #tpu.memory_space<vmem_shared>> -> memref<64x128xf32, #tpu.memory_space<vmem_shared>>
      tpu.enqueue_dma source(%arg10 : memref<64x128xf32, #tpu.memory_space<vmem>>) target(%dma_start3A_65 : memref<64x128xf32, #tpu.memory_space<vmem_shared>>) target_semaphore(%run_scoped3A : memref<!tpu.dma_semaphore, #tpu.memory_space<semaphore_mem>>)
      %dma_wait3A_66 = arith.constant 0 : i32
      %dma_wait3A_67 = tpu.memref_slice %arg12[%add3A_27, %dma_wait3A_66] : memref<10240x128xf32, #tpu.memory_space<vmem_shared>> -> memref<64x128xf32, #tpu.memory_space<vmem_shared>>
      %dma_wait3A_68 = arith.constant 0 : i32
      %dma_wait3A_69 = tpu.memref_slice %arg12[%add3A_27, %dma_wait3A_68] : memref<10240x128xf32, #tpu.memory_space<vmem_shared>> -> memref<64x128xf32, #tpu.memory_space<vmem_shared>>
      tpu.wait_dma2 semaphore(%run_scoped3A : memref<!tpu.dma_semaphore, #tpu.memory_space<semaphore_mem>>) src(%arg10 : memref<64x128xf32, #tpu.memory_space<vmem>>) dst(%dma_wait3A_69 : memref<64x128xf32, #tpu.memory_space<vmem_shared>>)
      tpu.yield
    }) : () -> ()
    %add3A_28 = arith.constant 128 : i32
    %add3A_29 = arith.addi %mul3A_23, %add3A_28 : i32
    "tpu.region"() ({
      %run_scoped3A = tpu.sem_alloc : memref<!tpu.dma_semaphore, #tpu.memory_space<semaphore_mem>>
      %dma_start3A_62 = arith.constant 0 : i32
      %dma_start3A_63 = tpu.memref_slice %arg12[%add3A_29, %dma_start3A_62] : memref<10240x128xf32, #tpu.memory_space<vmem_shared>> -> memref<64x128xf32, #tpu.memory_space<vmem_shared>>
      %dma_start3A_64 = arith.constant 0 : i32
      %dma_start3A_65 = tpu.memref_slice %arg12[%add3A_29, %dma_start3A_64] : memref<10240x128xf32, #tpu.memory_space<vmem_shared>> -> memref<64x128xf32, #tpu.memory_space<vmem_shared>>
      tpu.enqueue_dma source(%arg10 : memref<64x128xf32, #tpu.memory_space<vmem>>) target(%dma_start3A_65 : memref<64x128xf32, #tpu.memory_space<vmem_shared>>) target_semaphore(%run_scoped3A : memref<!tpu.dma_semaphore, #tpu.memory_space<semaphore_mem>>)
      %dma_wait3A_66 = arith.constant 0 : i32
      %dma_wait3A_67 = tpu.memref_slice %arg12[%add3A_29, %dma_wait3A_66] : memref<10240x128xf32, #tpu.memory_space<vmem_shared>> -> memref<64x128xf32, #tpu.memory_space<vmem_shared>>
      %dma_wait3A_68 = arith.constant 0 : i32
      %dma_wait3A_69 = tpu.memref_slice %arg12[%add3A_29, %dma_wait3A_68] : memref<10240x128xf32, #tpu.memory_space<vmem_shared>> -> memref<64x128xf32, #tpu.memory_space<vmem_shared>>
      tpu.wait_dma2 semaphore(%run_scoped3A : memref<!tpu.dma_semaphore, #tpu.memory_space<semaphore_mem>>) src(%arg10 : memref<64x128xf32, #tpu.memory_space<vmem>>) dst(%dma_wait3A_69 : memref<64x128xf32, #tpu.memory_space<vmem_shared>>)
      tpu.yield
    }) : () -> ()
    %add3A_30 = arith.constant 192 : i32
    %add3A_31 = arith.addi %mul3A_23, %add3A_30 : i32
    "tpu.region"() ({
      %run_scoped3A = tpu.sem_alloc : memref<!tpu.dma_semaphore, #tpu.memory_space<semaphore_mem>>
      %dma_start3A_62 = arith.constant 0 : i32
      %dma_start3A_63 = tpu.memref_slice %arg12[%add3A_31, %dma_start3A_62] : memref<10240x128xf32, #tpu.memory_space<vmem_shared>> -> memref<64x128xf32, #tpu.memory_space<vmem_shared>>
      %dma_start3A_64 = arith.constant 0 : i32
      %dma_start3A_65 = tpu.memref_slice %arg12[%add3A_31, %dma_start3A_64] : memref<10240x128xf32, #tpu.memory_space<vmem_shared>> -> memref<64x128xf32, #tpu.memory_space<vmem_shared>>
      tpu.enqueue_dma source(%arg10 : memref<64x128xf32, #tpu.memory_space<vmem>>) target(%dma_start3A_65 : memref<64x128xf32, #tpu.memory_space<vmem_shared>>) target_semaphore(%run_scoped3A : memref<!tpu.dma_semaphore, #tpu.memory_space<semaphore_mem>>)
      %dma_wait3A_66 = arith.constant 0 : i32
      %dma_wait3A_67 = tpu.memref_slice %arg12[%add3A_31, %dma_wait3A_66] : memref<10240x128xf32, #tpu.memory_space<vmem_shared>> -> memref<64x128xf32, #tpu.memory_space<vmem_shared>>
      %dma_wait3A_68 = arith.constant 0 : i32
      %dma_wait3A_69 = tpu.memref_slice %arg12[%add3A_31, %dma_wait3A_68] : memref<10240x128xf32, #tpu.memory_space<vmem_shared>> -> memref<64x128xf32, #tpu.memory_space<vmem_shared>>
      tpu.wait_dma2 semaphore(%run_scoped3A : memref<!tpu.dma_semaphore, #tpu.memory_space<semaphore_mem>>) src(%arg10 : memref<64x128xf32, #tpu.memory_space<vmem>>) dst(%dma_wait3A_69 : memref<64x128xf32, #tpu.memory_space<vmem_shared>>)
      tpu.yield
    }) : () -> ()
    %add3A_32 = arith.constant 256 : i32
    %add3A_33 = arith.addi %mul3A_23, %add3A_32 : i32
    "tpu.region"() ({
      %run_scoped3A = tpu.sem_alloc : memref<!tpu.dma_semaphore, #tpu.memory_space<semaphore_mem>>
      %dma_start3A_62 = arith.constant 0 : i32
      %dma_start3A_63 = tpu.memref_slice %arg12[%add3A_33, %dma_start3A_62] : memref<10240x128xf32, #tpu.memory_space<vmem_shared>> -> memref<64x128xf32, #tpu.memory_space<vmem_shared>>
      %dma_start3A_64 = arith.constant 0 : i32
      %dma_start3A_65 = tpu.memref_slice %arg12[%add3A_33, %dma_start3A_64] : memref<10240x128xf32, #tpu.memory_space<vmem_shared>> -> memref<64x128xf32, #tpu.memory_space<vmem_shared>>
      tpu.enqueue_dma source(%arg10 : memref<64x128xf32, #tpu.memory_space<vmem>>) target(%dma_start3A_65 : memref<64x128xf32, #tpu.memory_space<vmem_shared>>) target_semaphore(%run_scoped3A : memref<!tpu.dma_semaphore, #tpu.memory_space<semaphore_mem>>)
      %dma_wait3A_66 = arith.constant 0 : i32
      %dma_wait3A_67 = tpu.memref_slice %arg12[%add3A_33, %dma_wait3A_66] : memref<10240x128xf32, #tpu.memory_space<vmem_shared>> -> memref<64x128xf32, #tpu.memory_space<vmem_shared>>
      %dma_wait3A_68 = arith.constant 0 : i32
      %dma_wait3A_69 = tpu.memref_slice %arg12[%add3A_33, %dma_wait3A_68] : memref<10240x128xf32, #tpu.memory_space<vmem_shared>> -> memref<64x128xf32, #tpu.memory_space<vmem_shared>>
      tpu.wait_dma2 semaphore(%run_scoped3A : memref<!tpu.dma_semaphore, #tpu.memory_space<semaphore_mem>>) src(%arg10 : memref<64x128xf32, #tpu.memory_space<vmem>>) dst(%dma_wait3A_69 : memref<64x128xf32, #tpu.memory_space<vmem_shared>>)
      tpu.yield
    }) : () -> ()
    %add3A_34 = arith.constant 320 : i32
    %add3A_35 = arith.addi %mul3A_23, %add3A_34 : i32
    "tpu.region"() ({
      %run_scoped3A = tpu.sem_alloc : memref<!tpu.dma_semaphore, #tpu.memory_space<semaphore_mem>>
      %dma_start3A_62 = arith.constant 0 : i32
      %dma_start3A_63 = tpu.memref_slice %arg12[%add3A_35, %dma_start3A_62] : memref<10240x128xf32, #tpu.memory_space<vmem_shared>> -> memref<64x128xf32, #tpu.memory_space<vmem_shared>>
      %dma_start3A_64 = arith.constant 0 : i32
      %dma_start3A_65 = tpu.memref_slice %arg12[%add3A_35, %dma_start3A_64] : memref<10240x128xf32, #tpu.memory_space<vmem_shared>> -> memref<64x128xf32, #tpu.memory_space<vmem_shared>>
      tpu.enqueue_dma source(%arg10 : memref<64x128xf32, #tpu.memory_space<vmem>>) target(%dma_start3A_65 : memref<64x128xf32, #tpu.memory_space<vmem_shared>>) target_semaphore(%run_scoped3A : memref<!tpu.dma_semaphore, #tpu.memory_space<semaphore_mem>>)
      %dma_wait3A_66 = arith.constant 0 : i32
      %dma_wait3A_67 = tpu.memref_slice %arg12[%add3A_35, %dma_wait3A_66] : memref<10240x128xf32, #tpu.memory_space<vmem_shared>> -> memref<64x128xf32, #tpu.memory_space<vmem_shared>>
      %dma_wait3A_68 = arith.constant 0 : i32
      %dma_wait3A_69 = tpu.memref_slice %arg12[%add3A_35, %dma_wait3A_68] : memref<10240x128xf32, #tpu.memory_space<vmem_shared>> -> memref<64x128xf32, #tpu.memory_space<vmem_shared>>
      tpu.wait_dma2 semaphore(%run_scoped3A : memref<!tpu.dma_semaphore, #tpu.memory_space<semaphore_mem>>) src(%arg10 : memref<64x128xf32, #tpu.memory_space<vmem>>) dst(%dma_wait3A_69 : memref<64x128xf32, #tpu.memory_space<vmem_shared>>)
      tpu.yield
    }) : () -> ()
    %add3A_36 = arith.constant 384 : i32
    %add3A_37 = arith.addi %mul3A_23, %add3A_36 : i32
    "tpu.region"() ({
      %run_scoped3A = tpu.sem_alloc : memref<!tpu.dma_semaphore, #tpu.memory_space<semaphore_mem>>
      %dma_start3A_62 = arith.constant 0 : i32
      %dma_start3A_63 = tpu.memref_slice %arg12[%add3A_37, %dma_start3A_62] : memref<10240x128xf32, #tpu.memory_space<vmem_shared>> -> memref<64x128xf32, #tpu.memory_space<vmem_shared>>
      %dma_start3A_64 = arith.constant 0 : i32
      %dma_start3A_65 = tpu.memref_slice %arg12[%add3A_37, %dma_start3A_64] : memref<10240x128xf32, #tpu.memory_space<vmem_shared>> -> memref<64x128xf32, #tpu.memory_space<vmem_shared>>
      tpu.enqueue_dma source(%arg10 : memref<64x128xf32, #tpu.memory_space<vmem>>) target(%dma_start3A_65 : memref<64x128xf32, #tpu.memory_space<vmem_shared>>) target_semaphore(%run_scoped3A : memref<!tpu.dma_semaphore, #tpu.memory_space<semaphore_mem>>)
      %dma_wait3A_66 = arith.constant 0 : i32
      %dma_wait3A_67 = tpu.memref_slice %arg12[%add3A_37, %dma_wait3A_66] : memref<10240x128xf32, #tpu.memory_space<vmem_shared>> -> memref<64x128xf32, #tpu.memory_space<vmem_shared>>
      %dma_wait3A_68 = arith.constant 0 : i32
      %dma_wait3A_69 = tpu.memref_slice %arg12[%add3A_37, %dma_wait3A_68] : memref<10240x128xf32, #tpu.memory_space<vmem_shared>> -> memref<64x128xf32, #tpu.memory_space<vmem_shared>>
      tpu.wait_dma2 semaphore(%run_scoped3A : memref<!tpu.dma_semaphore, #tpu.memory_space<semaphore_mem>>) src(%arg10 : memref<64x128xf32, #tpu.memory_space<vmem>>) dst(%dma_wait3A_69 : memref<64x128xf32, #tpu.memory_space<vmem_shared>>)
      tpu.yield
    }) : () -> ()
    %add3A_38 = arith.constant 448 : i32
    %add3A_39 = arith.addi %mul3A_23, %add3A_38 : i32
    "tpu.region"() ({
      %run_scoped3A = tpu.sem_alloc : memref<!tpu.dma_semaphore, #tpu.memory_space<semaphore_mem>>
      %dma_start3A_62 = arith.constant 0 : i32
      %dma_start3A_63 = tpu.memref_slice %arg12[%add3A_39, %dma_start3A_62] : memref<10240x128xf32, #tpu.memory_space<vmem_shared>> -> memref<64x128xf32, #tpu.memory_space<vmem_shared>>
      %dma_start3A_64 = arith.constant 0 : i32
      %dma_start3A_65 = tpu.memref_slice %arg12[%add3A_39, %dma_start3A_64] : memref<10240x128xf32, #tpu.memory_space<vmem_shared>> -> memref<64x128xf32, #tpu.memory_space<vmem_shared>>
      tpu.enqueue_dma source(%arg10 : memref<64x128xf32, #tpu.memory_space<vmem>>) target(%dma_start3A_65 : memref<64x128xf32, #tpu.memory_space<vmem_shared>>) target_semaphore(%run_scoped3A : memref<!tpu.dma_semaphore, #tpu.memory_space<semaphore_mem>>)
      %dma_wait3A_66 = arith.constant 0 : i32
      %dma_wait3A_67 = tpu.memref_slice %arg12[%add3A_39, %dma_wait3A_66] : memref<10240x128xf32, #tpu.memory_space<vmem_shared>> -> memref<64x128xf32, #tpu.memory_space<vmem_shared>>
      %dma_wait3A_68 = arith.constant 0 : i32
      %dma_wait3A_69 = tpu.memref_slice %arg12[%add3A_39, %dma_wait3A_68] : memref<10240x128xf32, #tpu.memory_space<vmem_shared>> -> memref<64x128xf32, #tpu.memory_space<vmem_shared>>
      tpu.wait_dma2 semaphore(%run_scoped3A : memref<!tpu.dma_semaphore, #tpu.memory_space<semaphore_mem>>) src(%arg10 : memref<64x128xf32, #tpu.memory_space<vmem>>) dst(%dma_wait3A_69 : memref<64x128xf32, #tpu.memory_space<vmem_shared>>)
      tpu.yield
    }) : () -> ()
    %add3A_40 = arith.constant 512 : i32
    %add3A_41 = arith.addi %mul3A_23, %add3A_40 : i32
    "tpu.region"() ({
      %run_scoped3A = tpu.sem_alloc : memref<!tpu.dma_semaphore, #tpu.memory_space<semaphore_mem>>
      %dma_start3A_62 = arith.constant 0 : i32
      %dma_start3A_63 = tpu.memref_slice %arg12[%add3A_41, %dma_start3A_62] : memref<10240x128xf32, #tpu.memory_space<vmem_shared>> -> memref<64x128xf32, #tpu.memory_space<vmem_shared>>
      %dma_start3A_64 = arith.constant 0 : i32
      %dma_start3A_65 = tpu.memref_slice %arg12[%add3A_41, %dma_start3A_64] : memref<10240x128xf32, #tpu.memory_space<vmem_shared>> -> memref<64x128xf32, #tpu.memory_space<vmem_shared>>
      tpu.enqueue_dma source(%arg10 : memref<64x128xf32, #tpu.memory_space<vmem>>) target(%dma_start3A_65 : memref<64x128xf32, #tpu.memory_space<vmem_shared>>) target_semaphore(%run_scoped3A : memref<!tpu.dma_semaphore, #tpu.memory_space<semaphore_mem>>)
      %dma_wait3A_66 = arith.constant 0 : i32
      %dma_wait3A_67 = tpu.memref_slice %arg12[%add3A_41, %dma_wait3A_66] : memref<10240x128xf32, #tpu.memory_space<vmem_shared>> -> memref<64x128xf32, #tpu.memory_space<vmem_shared>>
      %dma_wait3A_68 = arith.constant 0 : i32
      %dma_wait3A_69 = tpu.memref_slice %arg12[%add3A_41, %dma_wait3A_68] : memref<10240x128xf32, #tpu.memory_space<vmem_shared>> -> memref<64x128xf32, #tpu.memory_space<vmem_shared>>
      tpu.wait_dma2 semaphore(%run_scoped3A : memref<!tpu.dma_semaphore, #tpu.memory_space<semaphore_mem>>) src(%arg10 : memref<64x128xf32, #tpu.memory_space<vmem>>) dst(%dma_wait3A_69 : memref<64x128xf32, #tpu.memory_space<vmem_shared>>)
      tpu.yield
    }) : () -> ()
    %add3A_42 = arith.constant 576 : i32
    %add3A_43 = arith.addi %mul3A_23, %add3A_42 : i32
    "tpu.region"() ({
      %run_scoped3A = tpu.sem_alloc : memref<!tpu.dma_semaphore, #tpu.memory_space<semaphore_mem>>
      %dma_start3A_62 = arith.constant 0 : i32
      %dma_start3A_63 = tpu.memref_slice %arg12[%add3A_43, %dma_start3A_62] : memref<10240x128xf32, #tpu.memory_space<vmem_shared>> -> memref<64x128xf32, #tpu.memory_space<vmem_shared>>
      %dma_start3A_64 = arith.constant 0 : i32
      %dma_start3A_65 = tpu.memref_slice %arg12[%add3A_43, %dma_start3A_64] : memref<10240x128xf32, #tpu.memory_space<vmem_shared>> -> memref<64x128xf32, #tpu.memory_space<vmem_shared>>
      tpu.enqueue_dma source(%arg10 : memref<64x128xf32, #tpu.memory_space<vmem>>) target(%dma_start3A_65 : memref<64x128xf32, #tpu.memory_space<vmem_shared>>) target_semaphore(%run_scoped3A : memref<!tpu.dma_semaphore, #tpu.memory_space<semaphore_mem>>)
      %dma_wait3A_66 = arith.constant 0 : i32
      %dma_wait3A_67 = tpu.memref_slice %arg12[%add3A_43, %dma_wait3A_66] : memref<10240x128xf32, #tpu.memory_space<vmem_shared>> -> memref<64x128xf32, #tpu.memory_space<vmem_shared>>
      %dma_wait3A_68 = arith.constant 0 : i32
      %dma_wait3A_69 = tpu.memref_slice %arg12[%add3A_43, %dma_wait3A_68] : memref<10240x128xf32, #tpu.memory_space<vmem_shared>> -> memref<64x128xf32, #tpu.memory_space<vmem_shared>>
      tpu.wait_dma2 semaphore(%run_scoped3A : memref<!tpu.dma_semaphore, #tpu.memory_space<semaphore_mem>>) src(%arg10 : memref<64x128xf32, #tpu.memory_space<vmem>>) dst(%dma_wait3A_69 : memref<64x128xf32, #tpu.memory_space<vmem_shared>>)
      tpu.yield
    }) : () -> ()
    %barrier3A = arith.constant 0 : index
    tpu.barrier barrier_id(%barrier3A)
    %dma_wait3A = arith.constant 0 : i32
    %dma_wait3A_44 = tpu.memref_slice %arg3[%dma_wait3A] : memref<323584xi32, #tpu.memory_space<hbm>> -> memref<64xi32, #tpu.memory_space<hbm>>
    %dma_wait3A_45 = arith.constant 0 : i32
    %dma_wait3A_46 = tpu.memref_slice %arg3[%dma_wait3A_45] : memref<323584xi32, #tpu.memory_space<hbm>> -> memref<64xi32, #tpu.memory_space<hbm>>
    tpu.wait_dma2 semaphore(%arg13 : memref<!tpu.dma_semaphore, #tpu.memory_space<semaphore_mem>>) src(%dma_wait3A_46 : memref<64xi32, #tpu.memory_space<hbm>>) dst(%arg6 : memref<64xi32, #tpu.memory_space<vmem>>)
    %dma_wait3A_47 = arith.constant 0 : i32
    %dma_wait3A_48 = tpu.memref_slice %arg4[%dma_wait3A_47] : memref<323584xi32, #tpu.memory_space<hbm>> -> memref<64xi32, #tpu.memory_space<hbm>>
    %dma_wait3A_49 = arith.constant 0 : i32
    %dma_wait3A_50 = tpu.memref_slice %arg4[%dma_wait3A_49] : memref<323584xi32, #tpu.memory_space<hbm>> -> memref<64xi32, #tpu.memory_space<hbm>>
    tpu.wait_dma2 semaphore(%arg13 : memref<!tpu.dma_semaphore, #tpu.memory_space<semaphore_mem>>) src(%dma_wait3A_50 : memref<64xi32, #tpu.memory_space<hbm>>) dst(%arg8 : memref<64xi32, #tpu.memory_space<vmem>>)
    %dma_start3A_51 = arith.constant 0 : i32
    %dma_start3A_52 = arith.constant 0 : i32
    %dma_start3A_53 = tpu.memref_slice %arg2[%dma_start3A_51, %dma_start3A_52] : memref<10000x128xf32, #tpu.memory_space<hbm>> -> memref<10000x128xf32, #tpu.memory_space<hbm>>
    tpu.enqueue_indirect_dma source(%dma_start3A_53 : memref<10000x128xf32, #tpu.memory_space<hbm>>) target(%arg10 : memref<64x128xf32, #tpu.memory_space<vmem>>) offsets(%arg6 : memref<64xi32, #tpu.memory_space<vmem>>) semaphore(%arg15 : memref<!tpu.dma_semaphore, #tpu.memory_space<semaphore_mem>>)
    %scan3A_54 = arith.constant 0 : i32
    %scan3A_55 = arith.constant 0 : i32
    %scan3A_56 = arith.constant 79 : i32
    %scan3A_57 = arith.addi %scan3A_55, %scan3A_56 : i32
    %scan3A_58 = arith.constant 1 : i32
    %scan3A_59 = scf.for %scan3A_62 = %scan3A_55 to %scan3A_57 step %scan3A_58 iter_args(%scan3A_63 = %scan3A_54) -> (i32)  : i32 {
      %mul3A_64 = arith.constant 2 : i32
      %mul3A_65 = arith.muli %scan3A_62, %mul3A_64 : i32
      %add3A_66 = arith.constant 0 : i32
      %add3A_67 = arith.addi %mul3A_65, %add3A_66 : i32
      %dma_wait3A_68 = arith.constant 0 : i32
      %dma_wait3A_69 = arith.constant 0 : i32
      %dma_wait3A_70 = tpu.memref_slice %arg2[%dma_wait3A_68, %dma_wait3A_69] : memref<10000x128xf32, #tpu.memory_space<hbm>> -> memref<10000x128xf32, #tpu.memory_space<hbm>>
      tpu.wait_indirect_dma semaphore(%arg15 : memref<!tpu.dma_semaphore, #tpu.memory_space<semaphore_mem>>) src(%dma_wait3A_70 : memref<10000x128xf32, #tpu.memory_space<hbm>>) dst(%arg10 : memref<64x128xf32, #tpu.memory_space<vmem>>)
      %add3A_71 = arith.constant 1 : i32
      %add3A_72 = arith.addi %add3A_67, %add3A_71 : i32
      %lt3A = arith.constant 158 : i32
      %lt3A_73 = arith.cmpi slt, %add3A_72, %lt3A : i32
      %convert_element_type3A = arith.extui %lt3A_73 : i1 to i32
      %cond3A = arith.constant 0 : i32
      %cond3A_74 = arith.cmpi ne, %convert_element_type3A, %cond3A : i32
      scf.if %cond3A_74 {
        %dma_wait3A_104 = arith.constant 0 : i32
        %dma_wait3A_105 = tpu.memref_slice %arg3[%dma_wait3A_104] : memref<323584xi32, #tpu.memory_space<hbm>> -> memref<64xi32, #tpu.memory_space<hbm>>
        %dma_wait3A_106 = arith.constant 0 : i32
        %dma_wait3A_107 = tpu.memref_slice %arg3[%dma_wait3A_106] : memref<323584xi32, #tpu.memory_space<hbm>> -> memref<64xi32, #tpu.memory_space<hbm>>
        tpu.wait_dma2 semaphore(%arg14 : memref<!tpu.dma_semaphore, #tpu.memory_space<semaphore_mem>>) src(%dma_wait3A_107 : memref<64xi32, #tpu.memory_space<hbm>>) dst(%arg7 : memref<64xi32, #tpu.memory_space<vmem>>)
        %dma_wait3A_108 = arith.constant 0 : i32
        %dma_wait3A_109 = tpu.memref_slice %arg4[%dma_wait3A_108] : memref<323584xi32, #tpu.memory_space<hbm>> -> memref<64xi32, #tpu.memory_space<hbm>>
        %dma_wait3A_110 = arith.constant 0 : i32
        %dma_wait3A_111 = tpu.memref_slice %arg4[%dma_wait3A_110] : memref<323584xi32, #tpu.memory_space<hbm>> -> memref<64xi32, #tpu.memory_space<hbm>>
        tpu.wait_dma2 semaphore(%arg14 : memref<!tpu.dma_semaphore, #tpu.memory_space<semaphore_mem>>) src(%dma_wait3A_111 : memref<64xi32, #tpu.memory_space<hbm>>) dst(%arg9 : memref<64xi32, #tpu.memory_space<vmem>>)
        %dma_start3A_112 = arith.constant 0 : i32
        %dma_start3A_113 = arith.constant 0 : i32
        %dma_start3A_114 = tpu.memref_slice %arg2[%dma_start3A_112, %dma_start3A_113] : memref<10000x128xf32, #tpu.memory_space<hbm>> -> memref<10000x128xf32, #tpu.memory_space<hbm>>
        tpu.enqueue_indirect_dma source(%dma_start3A_114 : memref<10000x128xf32, #tpu.memory_space<hbm>>) target(%arg11 : memref<64x128xf32, #tpu.memory_space<vmem>>) offsets(%arg7 : memref<64xi32, #tpu.memory_space<vmem>>) semaphore(%arg16 : memref<!tpu.dma_semaphore, #tpu.memory_space<semaphore_mem>>)
      } else {
      }
      "tpu.region"() ({
        %run_scoped3A = tpu.sem_alloc : memref<!tpu.dma_semaphore, #tpu.memory_space<semaphore_mem>>
        %dma_start3A_104 = arith.constant 0 : i32
        %dma_start3A_105 = arith.constant 0 : i32
        %dma_start3A_106 = tpu.memref_slice %arg12[%dma_start3A_104, %dma_start3A_105] : memref<10240x128xf32, #tpu.memory_space<vmem_shared>> -> memref<10240x128xf32, #tpu.memory_space<vmem_shared>>
        tpu.enqueue_indirect_dma source(%arg10 : memref<64x128xf32, #tpu.memory_space<vmem>>) target(%dma_start3A_106 : memref<10240x128xf32, #tpu.memory_space<vmem_shared>>) offsets(%arg8 : memref<64xi32, #tpu.memory_space<vmem>>) semaphore(%run_scoped3A : memref<!tpu.dma_semaphore, #tpu.memory_space<semaphore_mem>>) {add = true}
        %dma_wait3A_107 = arith.constant 0 : i32
        %dma_wait3A_108 = arith.constant 0 : i32
        %dma_wait3A_109 = tpu.memref_slice %arg12[%dma_wait3A_107, %dma_wait3A_108] : memref<10240x128xf32, #tpu.memory_space<vmem_shared>> -> memref<10240x128xf32, #tpu.memory_space<vmem_shared>>
        tpu.wait_indirect_dma semaphore(%run_scoped3A : memref<!tpu.dma_semaphore, #tpu.memory_space<semaphore_mem>>) src(%arg10 : memref<64x128xf32, #tpu.memory_space<vmem>>) dst(%dma_wait3A_109 : memref<10240x128xf32, #tpu.memory_space<vmem_shared>>)
        tpu.yield
      }) : () -> ()
      %add3A_75 = arith.constant 2 : i32
      %add3A_76 = arith.addi %add3A_67, %add3A_75 : i32
      %lt3A_77 = arith.constant 158 : i32
      %lt3A_78 = arith.cmpi slt, %add3A_76, %lt3A_77 : i32
      %convert_element_type3A_79 = arith.extui %lt3A_78 : i1 to i32
      %cond3A_80 = arith.constant 0 : i32
      %cond3A_81 = arith.cmpi ne, %convert_element_type3A_79, %cond3A_80 : i32
      scf.if %cond3A_81 {
        %add3A_104 = arith.constant 2 : i32
        %add3A_105 = arith.addi %add3A_67, %add3A_104 : i32
        %mul3A_106 = arith.constant 64 : i32
        %mul3A_107 = arith.muli %add3A_105, %mul3A_106 : i32
        %add3A_108 = arith.addi %mul3A_2, %mul3A_107 : i32
        %multiple_of3A_109 = tpu.assume_multiple %add3A_108, 8 : i32
        %dma_start3A_110 = tpu.memref_slice %arg3[%multiple_of3A_109] : memref<323584xi32, #tpu.memory_space<hbm>> -> memref<64xi32, #tpu.memory_space<hbm>>
        %dma_start3A_111 = tpu.memref_slice %arg3[%multiple_of3A_109] : memref<323584xi32, #tpu.memory_space<hbm>> -> memref<64xi32, #tpu.memory_space<hbm>>
        tpu.enqueue_dma source(%dma_start3A_111 : memref<64xi32, #tpu.memory_space<hbm>>) target(%arg6 : memref<64xi32, #tpu.memory_space<vmem>>) target_semaphore(%arg13 : memref<!tpu.dma_semaphore, #tpu.memory_space<semaphore_mem>>)
        %dma_start3A_112 = tpu.memref_slice %arg4[%multiple_of3A_109] : memref<323584xi32, #tpu.memory_space<hbm>> -> memref<64xi32, #tpu.memory_space<hbm>>
        %dma_start3A_113 = tpu.memref_slice %arg4[%multiple_of3A_109] : memref<323584xi32, #tpu.memory_space<hbm>> -> memref<64xi32, #tpu.memory_space<hbm>>
        tpu.enqueue_dma source(%dma_start3A_113 : memref<64xi32, #tpu.memory_space<hbm>>) target(%arg8 : memref<64xi32, #tpu.memory_space<vmem>>) target_semaphore(%arg13 : memref<!tpu.dma_semaphore, #tpu.memory_space<semaphore_mem>>)
      } else {
      }
      %mul3A_82 = arith.constant 2 : i32
      %mul3A_83 = arith.muli %scan3A_62, %mul3A_82 : i32
      %add3A_84 = arith.constant 1 : i32
      %add3A_85 = arith.addi %mul3A_83, %add3A_84 : i32
      %dma_wait3A_86 = arith.constant 0 : i32
      %dma_wait3A_87 = arith.constant 0 : i32
      %dma_wait3A_88 = tpu.memref_slice %arg2[%dma_wait3A_86, %dma_wait3A_87] : memref<10000x128xf32, #tpu.memory_space<hbm>> -> memref<10000x128xf32, #tpu.memory_space<hbm>>
      tpu.wait_indirect_dma semaphore(%arg16 : memref<!tpu.dma_semaphore, #tpu.memory_space<semaphore_mem>>) src(%dma_wait3A_88 : memref<10000x128xf32, #tpu.memory_space<hbm>>) dst(%arg11 : memref<64x128xf32, #tpu.memory_space<vmem>>)
      %add3A_89 = arith.constant 1 : i32
      %add3A_90 = arith.addi %add3A_85, %add3A_89 : i32
      %lt3A_91 = arith.constant 158 : i32
      %lt3A_92 = arith.cmpi slt, %add3A_90, %lt3A_91 : i32
      %convert_element_type3A_93 = arith.extui %lt3A_92 : i1 to i32
      %cond3A_94 = arith.constant 0 : i32
      %cond3A_95 = arith.cmpi ne, %convert_element_type3A_93, %cond3A_94 : i32
      scf.if %cond3A_95 {
        %dma_wait3A_104 = arith.constant 0 : i32
        %dma_wait3A_105 = tpu.memref_slice %arg3[%dma_wait3A_104] : memref<323584xi32, #tpu.memory_space<hbm>> -> memref<64xi32, #tpu.memory_space<hbm>>
        %dma_wait3A_106 = arith.constant 0 : i32
        %dma_wait3A_107 = tpu.memref_slice %arg3[%dma_wait3A_106] : memref<323584xi32, #tpu.memory_space<hbm>> -> memref<64xi32, #tpu.memory_space<hbm>>
        tpu.wait_dma2 semaphore(%arg13 : memref<!tpu.dma_semaphore, #tpu.memory_space<semaphore_mem>>) src(%dma_wait3A_107 : memref<64xi32, #tpu.memory_space<hbm>>) dst(%arg6 : memref<64xi32, #tpu.memory_space<vmem>>)
        %dma_wait3A_108 = arith.constant 0 : i32
        %dma_wait3A_109 = tpu.memref_slice %arg4[%dma_wait3A_108] : memref<323584xi32, #tpu.memory_space<hbm>> -> memref<64xi32, #tpu.memory_space<hbm>>
        %dma_wait3A_110 = arith.constant 0 : i32
        %dma_wait3A_111 = tpu.memref_slice %arg4[%dma_wait3A_110] : memref<323584xi32, #tpu.memory_space<hbm>> -> memref<64xi32, #tpu.memory_space<hbm>>
        tpu.wait_dma2 semaphore(%arg13 : memref<!tpu.dma_semaphore, #tpu.memory_space<semaphore_mem>>) src(%dma_wait3A_111 : memref<64xi32, #tpu.memory_space<hbm>>) dst(%arg8 : memref<64xi32, #tpu.memory_space<vmem>>)
        %dma_start3A_112 = arith.constant 0 : i32
        %dma_start3A_113 = arith.constant 0 : i32
        %dma_start3A_114 = tpu.memref_slice %arg2[%dma_start3A_112, %dma_start3A_113] : memref<10000x128xf32, #tpu.memory_space<hbm>> -> memref<10000x128xf32, #tpu.memory_space<hbm>>
        tpu.enqueue_indirect_dma source(%dma_start3A_114 : memref<10000x128xf32, #tpu.memory_space<hbm>>) target(%arg10 : memref<64x128xf32, #tpu.memory_space<vmem>>) offsets(%arg6 : memref<64xi32, #tpu.memory_space<vmem>>) semaphore(%arg15 : memref<!tpu.dma_semaphore, #tpu.memory_space<semaphore_mem>>)
      } else {
      }
      "tpu.region"() ({
        %run_scoped3A = tpu.sem_alloc : memref<!tpu.dma_semaphore, #tpu.memory_space<semaphore_mem>>
        %dma_start3A_104 = arith.constant 0 : i32
        %dma_start3A_105 = arith.constant 0 : i32
        %dma_start3A_106 = tpu.memref_slice %arg12[%dma_start3A_104, %dma_start3A_105] : memref<10240x128xf32, #tpu.memory_space<vmem_shared>> -> memref<10240x128xf32, #tpu.memory_space<vmem_shared>>
        tpu.enqueue_indirect_dma source(%arg11 : memref<64x128xf32, #tpu.memory_space<vmem>>) target(%dma_start3A_106 : memref<10240x128xf32, #tpu.memory_space<vmem_shared>>) offsets(%arg9 : memref<64xi32, #tpu.memory_space<vmem>>) semaphore(%run_scoped3A : memref<!tpu.dma_semaphore, #tpu.memory_space<semaphore_mem>>) {add = true}
        %dma_wait3A_107 = arith.constant 0 : i32
        %dma_wait3A_108 = arith.constant 0 : i32
        %dma_wait3A_109 = tpu.memref_slice %arg12[%dma_wait3A_107, %dma_wait3A_108] : memref<10240x128xf32, #tpu.memory_space<vmem_shared>> -> memref<10240x128xf32, #tpu.memory_space<vmem_shared>>
        tpu.wait_indirect_dma semaphore(%run_scoped3A : memref<!tpu.dma_semaphore, #tpu.memory_space<semaphore_mem>>) src(%arg11 : memref<64x128xf32, #tpu.memory_space<vmem>>) dst(%dma_wait3A_109 : memref<10240x128xf32, #tpu.memory_space<vmem_shared>>)
        tpu.yield
      }) : () -> ()
      %add3A_96 = arith.constant 2 : i32
      %add3A_97 = arith.addi %add3A_85, %add3A_96 : i32
      %lt3A_98 = arith.constant 158 : i32
      %lt3A_99 = arith.cmpi slt, %add3A_97, %lt3A_98 : i32
      %convert_element_type3A_100 = arith.extui %lt3A_99 : i1 to i32
      %cond3A_101 = arith.constant 0 : i32
      %cond3A_102 = arith.cmpi ne, %convert_element_type3A_100, %cond3A_101 : i32
      scf.if %cond3A_102 {
        %add3A_104 = arith.constant 2 : i32
        %add3A_105 = arith.addi %add3A_85, %add3A_104 : i32
        %mul3A_106 = arith.constant 64 : i32
        %mul3A_107 = arith.muli %add3A_105, %mul3A_106 : i32
        %add3A_108 = arith.addi %mul3A_2, %mul3A_107 : i32
        %multiple_of3A_109 = tpu.assume_multiple %add3A_108, 8 : i32
        %dma_start3A_110 = tpu.memref_slice %arg3[%multiple_of3A_109] : memref<323584xi32, #tpu.memory_space<hbm>> -> memref<64xi32, #tpu.memory_space<hbm>>
        %dma_start3A_111 = tpu.memref_slice %arg3[%multiple_of3A_109] : memref<323584xi32, #tpu.memory_space<hbm>> -> memref<64xi32, #tpu.memory_space<hbm>>
        tpu.enqueue_dma source(%dma_start3A_111 : memref<64xi32, #tpu.memory_space<hbm>>) target(%arg7 : memref<64xi32, #tpu.memory_space<vmem>>) target_semaphore(%arg14 : memref<!tpu.dma_semaphore, #tpu.memory_space<semaphore_mem>>)
        %dma_start3A_112 = tpu.memref_slice %arg4[%multiple_of3A_109] : memref<323584xi32, #tpu.memory_space<hbm>> -> memref<64xi32, #tpu.memory_space<hbm>>
        %dma_start3A_113 = tpu.memref_slice %arg4[%multiple_of3A_109] : memref<323584xi32, #tpu.memory_space<hbm>> -> memref<64xi32, #tpu.memory_space<hbm>>
        tpu.enqueue_dma source(%dma_start3A_113 : memref<64xi32, #tpu.memory_space<hbm>>) target(%arg9 : memref<64xi32, #tpu.memory_space<vmem>>) target_semaphore(%arg14 : memref<!tpu.dma_semaphore, #tpu.memory_space<semaphore_mem>>)
      } else {
      }
      %scan3A_103 = arith.constant 0 : i32
      scf.yield %scan3A_103 : i32
    }
    %scan3A_60 = arith.constant 79 : i32
    %barrier3A_61 = arith.constant 0 : index
    tpu.barrier barrier_id(%barrier3A_61)
    "tpu.region"() ({
      %run_scoped3A = tpu.sem_alloc : memref<!tpu.dma_semaphore, #tpu.memory_space<semaphore_mem>>
      %dma_start3A_62 = arith.constant 0 : i32
      %dma_start3A_63 = tpu.memref_slice %arg5[%arg0, %mul3A_23, %dma_start3A_62] : memref<2x10240x128xf32, #tpu.memory_space<hbm>> -> memref<1x640x128xf32, #tpu.memory_space<hbm>>
      %dma_start3A_64 = tpu.memref_squeeze %dma_start3A_63 : memref<1x640x128xf32, #tpu.memory_space<hbm>> -> memref<640x128xf32, #tpu.memory_space<hbm>>
      %dma_start3A_65 = arith.constant 0 : i32
      %dma_start3A_66 = tpu.memref_slice %arg12[%mul3A_23, %dma_start3A_65] : memref<10240x128xf32, #tpu.memory_space<vmem_shared>> -> memref<640x128xf32, #tpu.memory_space<vmem_shared>>
      tpu.enqueue_dma source(%dma_start3A_66 : memref<640x128xf32, #tpu.memory_space<vmem_shared>>) target(%dma_start3A_64 : memref<640x128xf32, #tpu.memory_space<hbm>>) target_semaphore(%run_scoped3A : memref<!tpu.dma_semaphore, #tpu.memory_space<semaphore_mem>>)
      %dma_wait3A_67 = arith.constant 0 : i32
      %dma_wait3A_68 = tpu.memref_slice %arg5[%arg0, %mul3A_23, %dma_wait3A_67] : memref<2x10240x128xf32, #tpu.memory_space<hbm>> -> memref<1x640x128xf32, #tpu.memory_space<hbm>>
      %dma_wait3A_69 = tpu.memref_squeeze %dma_wait3A_68 : memref<1x640x128xf32, #tpu.memory_space<hbm>> -> memref<640x128xf32, #tpu.memory_space<hbm>>
      %dma_wait3A_70 = arith.constant 0 : i32
      %dma_wait3A_71 = tpu.memref_slice %arg12[%mul3A_23, %dma_wait3A_70] : memref<10240x128xf32, #tpu.memory_space<vmem_shared>> -> memref<640x128xf32, #tpu.memory_space<vmem_shared>>
      tpu.wait_dma2 semaphore(%run_scoped3A : memref<!tpu.dma_semaphore, #tpu.memory_space<semaphore_mem>>) src(%dma_wait3A_71 : memref<640x128xf32, #tpu.memory_space<vmem_shared>>) dst(%dma_wait3A_69 : memref<640x128xf32, #tpu.memory_space<hbm>>)
      tpu.yield
    }) : () -> ()
    return
  }
}

module attributes {stable_mosaic.version = 14 : i64} {
  func.func @body(%arg0: i32, %arg1: memref<2000x128xf32, #tpu.memory_space<vmem>>, %arg2: memref<2000x128xf32, #tpu.memory_space<vmem>>, %arg3: memref<2000x128xf32, #tpu.memory_space<vmem>>, %arg4: memref<128x128xf32, #tpu.memory_space<vmem>>, %arg5: memref<1x128xf32, #tpu.memory_space<vmem>>, %arg6: memref<2000x128xf32, #tpu.memory_space<vmem>>) attributes {dimension_semantics = [#tpu.dimension_semantics<arbitrary>], iteration_bounds = array<i64: 5>, scalar_prefetch = 0 : i64, scratch_operands = 0 : i64, tpu.core_type = #tpu.core_type<tc>, window_params = [{transform_indices = @transform_0, window_bounds = array<i64: 2000, 128>}, {transform_indices = @transform_1, window_bounds = array<i64: 2000, 128>}, {transform_indices = @transform_2, window_bounds = array<i64: 2000, 128>}, {pipeline_mode = #tpu.pipeline_mode<synchronous>, transform_indices = @transform_3, window_bounds = array<i64: 128, 128>}, {pipeline_mode = #tpu.pipeline_mode<synchronous>, transform_indices = @transform_4, window_bounds = array<i64: 1, 128>}, {transform_indices = @transform_5, window_bounds = array<i64: 2000, 128>}]} {
    %get3A = arith.constant 0 : index
    %get3A_0 = arith.constant 0 : index
    %get3A_1 = vector.load %arg1[%get3A, %get3A_0] : memref<2000x128xf32, #tpu.memory_space<vmem>>, vector<2000x128xf32>
    %get3A_2 = arith.constant 0 : index
    %get3A_3 = arith.constant 0 : index
    %get3A_4 = vector.load %arg2[%get3A_2, %get3A_3] : memref<2000x128xf32, #tpu.memory_space<vmem>>, vector<2000x128xf32>
    %add3A = arith.addf %get3A_1, %get3A_4 : vector<2000x128xf32>
    %get3A_5 = arith.constant 0 : index
    %get3A_6 = arith.constant 0 : index
    %get3A_7 = vector.load %arg4[%get3A_5, %get3A_6] : memref<128x128xf32, #tpu.memory_space<vmem>>, vector<128x128xf32>
    %dot_general3A = arith.constant dense<0.000000e+00> : vector<2000x128xf32>
    %dot_general3A_8 = tpu.matmul %add3A, %get3A_7, %dot_general3A {dimension_numbers = #tpu.dot_dimension_numbers<[1], [0], [0], [1], [0, 0, 1, 1], [], []>, transpose_lhs_hint = false} : vector<2000x128xf32>, vector<128x128xf32>, vector<2000x128xf32> -> vector<2000x128xf32>
    %get3A_9 = arith.constant 0 : index
    %get3A_10 = arith.constant 0 : index
    %get3A_11 = vector.load %arg5[%get3A_9, %get3A_10] : memref<1x128xf32, #tpu.memory_space<vmem>>, vector<1x128xf32>
    %add3A_12 = vector.broadcast %get3A_11 : vector<1x128xf32> to vector<2000x128xf32>
    %add3A_13 = arith.addf %dot_general3A_8, %add3A_12 : vector<2000x128xf32>
    %max3A = arith.constant 0.000000e+00 : f32
    %max3A_14 = vector.broadcast %max3A : f32 to vector<2000x128xf32>
    %max3A_15 = arith.maximumf %add3A_13, %max3A_14 : vector<2000x128xf32>
    %get3A_16 = arith.constant 0 : index
    %get3A_17 = arith.constant 0 : index
    %get3A_18 = vector.load %arg3[%get3A_16, %get3A_17] : memref<2000x128xf32, #tpu.memory_space<vmem>>, vector<2000x128xf32>
    %add3A_19 = arith.addf %max3A_15, %get3A_18 : vector<2000x128xf32>
    %swap3A = arith.constant 0 : index
    %swap3A_20 = arith.constant 0 : index
    %swap3A_21 = vector.load %arg6[%swap3A, %swap3A_20] : memref<2000x128xf32, #tpu.memory_space<vmem>>, vector<2000x128xf32>
    tpu.vector_store %arg6[%swap3A, %swap3A_20], %add3A_19 {strides = array<i32>} : memref<2000x128xf32, #tpu.memory_space<vmem>>, vector<2000x128xf32>,
    return
  }
  func.func @transform_0(%arg0: i32) -> (i32, i32) {
    %c0_i32 = arith.constant 0 : i32
    %c0_i32_0 = arith.constant 0 : i32
    return %arg0, %c0_i32 : i32, i32
  }
  func.func @transform_1(%arg0: i32) -> (i32, i32) {
    %c0_i32 = arith.constant 0 : i32
    %c0_i32_0 = arith.constant 0 : i32
    return %arg0, %c0_i32 : i32, i32
  }
  func.func @transform_2(%arg0: i32) -> (i32, i32) {
    %c0_i32 = arith.constant 0 : i32
    %c0_i32_0 = arith.constant 0 : i32
    return %arg0, %c0_i32 : i32, i32
  }
  func.func @transform_3(%arg0: i32) -> (i32, i32) {
    %c0_i32 = arith.constant 0 : i32
    %c0_i32_0 = arith.constant 0 : i32
    %c0_i32_1 = arith.constant 0 : i32
    return %c0_i32, %c0_i32_0 : i32, i32
  }
  func.func @transform_4(%arg0: i32) -> (i32, i32) {
    %c0_i32 = arith.constant 0 : i32
    %c0_i32_0 = arith.constant 0 : i32
    %c0_i32_1 = arith.constant 0 : i32
    return %c0_i32, %c0_i32_0 : i32, i32
  }
  func.func @transform_5(%arg0: i32) -> (i32, i32) {
    %c0_i32 = arith.constant 0 : i32
    %c0_i32_0 = arith.constant 0 : i32
    return %arg0, %c0_i32 : i32, i32
  }
}

</mosaic_0001>

<sc_bundles>
// kernel: kernel.4.cloned.1.call-start
scs
__scs_entry_jumppad:
0x0: {  	(pc) =	sbr.rel $0x88, $3  }
0x1: {  	(tag) =	ssettag $0x0;
	lr =	simm.s32 $0x1  }
0x2: {  	[smem:$0x3F9D] =	sst lr;
	_ =	strace $0xD0000000  }
0x3: {  	_ = 	snop  }
0x4: {  	_ = 	snop  }
0x5: {  	_ = 	snop  }
0x6: {  	_ = 	snop  }
0x7: {  	_ = 	snop  }
__scs_overlays_trampoline_lowered:
0x8: {  	[smem:$0x3FAC] =	sst s0  }
0x9: {  	[smem:$0x3FAD] =	sst s1  }
0xa: {  	[smem:$0x3FAE] =	sst s2  }
0xb: {  	[smem:$0x3FAF] =	sst s3  }
0xc: {  	[smem:$0x3FB0] =	sst s4  }
0xd: {  	[smem:$0x3FB1] =	sst s5  }
0xe: {  	[smem:$0x3FB2] =	sst s6  }
0xf: {  	[smem:$0x3FB3] =	sst s7  }
0x10: {  	[smem:$0x3FB4] =	sst s8  }
0x11: {  	[smem:$0x3FB5] =	sst s9;
	s0 =	simm.s32 @!p0 $0x0  }
0x12: {  	s1 =	sld [smem:$0x3F9B];
	s0 =	simm.s32 @p0 $0x1  }
0x13: {  	[smem:$0x3FB6] =	sst s0;
	s0 =	simm.s32 @!p1 $0x0  }
0x14: {  	s2 =	sld [smem:$0x3F9A];
	s0 =	simm.s32 @p1 $0x1  }
0x15: {  	[smem:$0x3FB7] =	sst s0;
	s0 =	simm.s32 @!p2 $0x0  }
0x16: {  	s3 =	sld [smem:$0x3FDB];
	s0 =	simm.s32 @p2 $0x1  }
0x17: {  	s4 =	simm.s32 $0x1BF5;
	[smem:$0x3FB9] =	sst s0  }
0x18: {  	s0 =	sld [smem:$0x3F9C];
	_ =	swait.ge [sflag:s4], $0x0  }
0x19: {  	s7 =	sld [smem:$0x3F9D]  }
0x1a: {  	s8 =	sadd.s32 $0xFFFFE003, lr  }
0x1b: {  	s9 =	sadd.s32 $0xFFFFFEF7, lr;
	s5 =	simm.s32 $0xFFFFFFFF;
	p2 =	slt.u32 s8, $0xFFFFF086  }
0x1c: {  	p1 =	slt.u32 s9, $0xF7A;
	s5 =	simm.s32 @!p2 $0x0  }
0x1d: {  	s5 =	simm.s32 @p1 $0x1;
	p0 =	seq.s32 s7, s2  }
0x1e: {  	s7 =	smul.u32 @!p0 $0xF7A, s2;
	p2 =	seq.s32 @!p0 s5, $0x0  }
0x1f: {  	s9 =	smul.u32 $0xF7A, s1;
	s8 =	simm.s32 @!p0 $0x1BF5;
	p2 =	por !p2, p0  }
0x20: {  	[sflag:s8] =	ssyncset.s32 @!p0 $0xFFFFF086;
	s6 =	sadd.s32 @!p0 s3, s7;
	s7 =	simm.s32 @!p0 $0x108  }
0x21: {  	s3 =	sadd.s32 s3, s9;
	s6 =	sadd.s32 @!p0 $0x88, s6;
	s7 =	simm.s32 @p2 $0x1082  }
0x22: {  	[simem:s7], [sflag:s8] =	dma.local @!p0 [hbm:s6], $0xF7A  }
0x23: {  	s9 =	sor.u32 $0xD0000000, s2;
	s6 =	simm.s32 $0x108;
	_ =	swait.ge @!p0 [sflag:s8], $0x0  }
0x24: {  	s3 =	sadd.s32 $0x88, s3;
	s6 =	simm.s32 @!p1 $0x1082;
	[sflag:s4] =	ssyncset.s32 $0xFFFFF086  }
0x25: {  	[simem:s6], [sflag:s4] =	dma.local [hbm:s3], $0xF7A  }
0x26: {  	[smem:$0x3F9D] =	sst s1;
	(tag) =	ssettag s2;
	_ =	strace s9  }
0x27: {  	s1 =	sld [smem:$0x3FAD]  }
0x28: {  	s2 =	sld [smem:$0x3FAE]  }
0x29: {  	s4 =	sld [smem:$0x3FB0]  }
0x2a: {  	p0 =	seq.s32 s5, $0x0;
	s5 =	sld [smem:$0x3FB1]  }
0x2b: {  	s6 =	sld [smem:$0x3FB2]  }
0x2c: {  	s7 =	sld [smem:$0x3FB3]  }
0x2d: {  	s3 =	simm.s32 $0x108;
	s8 =	sld [smem:$0x3FB4]  }
0x2e: {  	s3 =	simm.s32 @!p0 $0x1082;
	s9 =	sld [smem:$0x3FB5]  }
0x2f: {  	lr =	sadd.s32 s0, s3;
	s0 =	sld [smem:$0x3FAC]  }
0x30: {  	s3 =	sld [smem:$0x3FAF]  }
0x31: {  	[smem:$0x3FB8] =	sst s10  }
0x32: {  	s10 =	sld [smem:$0x3FB6];
	_ =	sdelay $0x3  }
0x33: {  	p0 =	seq.s32 s10, $0x1;
	s10 =	sld [smem:$0x3FB8];
	_ =	sdelay $0x3  }
0x34: {  	[smem:$0x3FB8] =	sst s10  }
0x35: {  	s10 =	sld [smem:$0x3FB7];
	_ =	sdelay $0x3  }
0x36: {  	p1 =	seq.s32 s10, $0x1;
	s10 =	sld [smem:$0x3FB8];
	_ =	sdelay $0x3  }
0x37: {  	[smem:$0x3FB8] =	sst s10  }
0x38: {  	s10 =	sld [smem:$0x3FB9]  }
0x39: {  	_ = 	snop;
	(pc) =	sbr.ind lr, $3  }
0x3a: {  	_ = 	snop  }
0x3b: {  	_ = 	snop  }
0x3c: {  	p2 =	seq.s32 s10, $0x1;
	s10 =	sld [smem:$0x3FB8]  }
0x3d: {  	_ =	shalt  }
0x3e: {  	_ =	shalt  }
0x3f: {  	_ =	shalt  }
0x40: {  	_ =	shalt  }
0x41: {  	_ =	shalt  }
0x42: {  	_ =	shalt  }
0x43: {  	_ =	shalt  }
0x44: {  	_ =	shalt  }
0x45: {  	_ =	shalt  }
0x46: {  	_ =	shalt  }
0x47: {  	_ =	shalt  }
0x48: {  	_ =	shalt  }
0x49: {  	_ =	shalt  }
0x4a: {  	_ =	shalt  }
0x4b: {  	_ =	shalt  }
0x4c: {  	_ =	shalt  }
0x4d: {  	_ =	shalt  }
0x4e: {  	_ =	shalt  }
0x4f: {  	_ =	shalt  }
0x50: {  	_ =	shalt  }
0x51: {  	_ =	shalt  }
0x52: {  	_ =	shalt  }
0x53: {  	_ =	shalt  }
0x54: {  	_ =	shalt  }
0x55: {  	_ =	shalt  }
0x56: {  	_ =	shalt  }
0x57: {  	_ =	shalt  }
0x58: {  	_ =	shalt  }
0x59: {  	_ =	shalt  }
0x5a: {  	_ =	shalt  }
0x5b: {  	_ =	shalt  }
0x5c: {  	_ =	shalt  }
0x5d: {  	_ =	shalt  }
0x5e: {  	_ =	shalt  }
0x5f: {  	_ =	shalt  }
0x60: {  	_ =	shalt  }
0x61: {  	_ =	shalt  }
0x62: {  	_ =	shalt  }
0x63: {  	_ =	shalt  }
0x64: {  	_ =	shalt  }
0x65: {  	_ =	shalt  }
0x66: {  	_ =	shalt  }
0x67: {  	_ =	shalt  }
0x68: {  	_ =	shalt  }
0x69: {  	_ =	shalt  }
0x6a: {  	_ =	shalt  }
0x6b: {  	_ =	shalt  }
0x6c: {  	_ =	shalt  }
0x6d: {  	_ =	shalt  }
0x6e: {  	_ =	shalt  }
0x6f: {  	_ =	shalt  }
0x70: {  	_ =	shalt  }
0x71: {  	_ =	shalt  }
0x72: {  	_ =	shalt  }
0x73: {  	_ =	shalt  }
0x74: {  	_ =	shalt  }
0x75: {  	_ =	shalt  }
0x76: {  	_ =	shalt  }
0x77: {  	_ =	shalt  }
0x78: {  	_ =	shalt  }
0x79: {  	_ =	shalt  }
0x7a: {  	_ =	shalt  }
0x7b: {  	_ =	shalt  }
0x7c: {  	_ =	shalt  }
0x7d: {  	_ =	shalt  }
0x7e: {  	_ =	shalt  }
0x7f: {  	_ =	shalt  }
0x80: {  	_ =	shalt  }
0x81: {  	_ =	shalt  }
0x82: {  	_ =	shalt  }
0x83: {  	_ =	shalt  }
0x84: {  	_ =	shalt  }
0x85: {  	_ =	shalt  }
0x86: {  	_ =	shalt  }
0x87: {  	_ =	shalt  }
.Lfunc_end0:
.L_simem_size_0:
called_computation_lowered:
.L_overlay_start_0:
0x88: {  	s2 =	sld [smem:$0x3FD9]  }
0x89: {  	s3 =	sld [smem:$0x3FFE];
	_ =	sdelay $0x1  }
0x8a: {  	s1 =	srdreg.scid  }
0x8b: {  	s0 =	sand.u32 $0x1, s1  }
0x8c: {  	s17 =	sshll.u32 s0, $0xA;
	s2 =	sadd.s32 s3, s2  }
0x8d: {  	s2 =	sadd.s32 s2, s17  }
0x8e: {  	[smem:$0x3FC4] =	sst s2  }
0x8f: {  	_ = 	snop  }
0x90: {  	s2 =	sld [smem:$0x3FC9]  }
0x91: {  	s18 =	sld [smem:$0x3FD0];
	(tm) =	ssettm $0x1  }
0x92: {  	s4 =	sld [smem:$0x3FFB];
	_ =	sdelay $0x3  }
0x93: {  	_ =	strace s4  }
0x94: {  	s4 =	sld [smem:$0x3FFC];
	_ =	sdelay $0x3  }
0x95: {  	_ =	strace s4  }
0x96: {  	s4 =	sld [smem:$0x3FFD];
	_ =	sdelay $0x3  }
0x97: {  	_ =	strace s4  }
0x98: {  	_ =	strace $0x8FFFFFFF  }
0x99: {  	s19 =	sld [smem:$0x3FDB];
	_ =	sdelay $0x1  }
0x9a: {  	s5 =	simm.s32 $_scs_section_size  }
0x9b: {  	s6 =	simm.s32 $_size__tile_overlayer_lowered;
	s7 =	simm.s32 $_tile_overlayer_lowered  }
0x9c: {  	s22 =	simm.s32 $0x1BFF;
	s21 =	sshll.u32 s7, $0x1;
	s4 =	sadd.s32 s5, s19  }
0x9d: {  	s8 =	simm.s32 $0x0;
	s20 =	sshll.u32 s6, $0x1;
	s6 =	sadd.s32 s21, s4  }
0x9e: {  	[timem:s8], [sflag:s22] =	dma.local [hbm:s6], s20  }
0x9f: {  	_ =	swait.ge [sflag:s22], s20  }
0xa0: {  	s5 =	ssub.s32 $0x0, s20;
	[sflag:s22] =	ssyncset.done $0x0  }
0xa1: {  	[sflag:s22] =	ssyncadd.s32 s5;
	_ =	sdelay $0x1  }
0xa2: {  	s23 =	simm.s32 $0x1B8B  }
0xa3: {  	_ =	swait.ge [sflag:s23], $0x1  }
0xa4: {  	[sflag:s23] =	ssyncset.done $0x0  }
0xa5: {  	s25 =	simm.s32 $0x1B8E;
	s24 =	sld [smem:$0x3FFE];
	[sflag:s23] =	ssyncadd.s32 $0xFFFFFFFF  }
0xa6: {  	s26 =	simm.s32 $execute0_lowered;
	[smem:$0x3FD2] =	sst s25  }
0xa7: {  	s6 =	sshll.u32 s26, $0x1;
	_ =	strace $0x80000046;
	[dreg:$0x1] =	wrdreg $0xFFFFFFFF  }
0xa8: {  	s28 =	simm.s32 $_size_execute0_lowered;
	s4 =	sadd.s32 s4, s6;
	[dreg:$0x0] =	wrdreg $0x0  }
0xa9: {  	s6 =	sshll.u32 s28, $0x1;
	[dreg:$0x2] =	wrdreg s4  }
0xaa: {  	[dreg:$0x3] =	wrdreg s6  }
0xab: {  	[dreg:$0x4] =	wrdreg $0xC0  }
0xac: {  	_ =	task [dreg:s8], $0x5FFFF  }
0xad: {  	[dreg:$0x1] =	wrdreg $0xFFFFFFFF  }
0xae: {  	[dreg:$0x0] =	wrdreg $0x60  }
0xaf: {  	[dreg:$0x2] =	wrdreg s2  }
0xb0: {  	[dreg:$0x3] =	wrdreg s18  }
0xb1: {  	[dreg:$0x4] =	wrdreg s24  }
0xb2: {  	[dreg:$0x5] =	wrdreg $0x42000  }
0xb3: {  	[dreg:$0x6] =	wrdreg $0x9  }
0xb4: {  	_ =	task.clear_ibuf [dreg:s8], $0x7FFFF;
	_ =	strace $0x90000046  }
0xb5: {  	s29 =	simm.s32 $0x9;
	_ =	strace $0x80000048  }
0xb6: {  	_ =	swait.ge [sflag:s29], $0x1  }
0xb7: {  	[sflag:s29] =	ssyncadd.s32 $0xFFFFFFFF  }
0xb8: {  	_ =	strace $0x90000048  }
0xb9: {  	_ =	sfence  }
0xba: {  	s30 =	sld [smem:$0x0];
	_ =	sdelay $0x2  }
0xbb: {  	s31 =	sshll.u32 s1, $0xD;
	s1 =	sshrl.u32 s1, $0x2  }
0xbc: {  	s3 =	sand.u32 $0x4000, s31;
	s1 =	sadd.s32 s1, s30  }
0xbd: {  	s0 =	sor.u32 s3, s0;
	s1 =	sshll.u32 s1, $0x11  }
0xbe: {  	s0 =	sor.u32 s1, s0  }
0xbf: {  	s0 =	sadd.s32 $0x8F2B, s0  }
0xc0: {  	[sflag:s0] =	ssyncadd.remote.s32 $0x1  }
0xc1: {  	_ =	sfence.sel $0xFFFF  }
0xc2: {  	[dreg:$0x0] =	wrdreg $0xFFFFFFFF;
	(pc) =	sbr.abs _section_cstart, $3  }
0xc3: {  	[dreg:$0x1] =	wrdreg $0xFFFFFFFF  }
0xc4: {  	_ =	task.clear_ibuf [dreg:s8], $0x2FFFF;
	_ =	strace $0x9FFFFFFF  }
0xc5: {  	(tm) =	ssettm $0x7FFFFFFF  }
tec
execute0_lowered:
.L_overlay_start_1:
0x0: {  	(tag) =	ssettag $0x1  }
0x1: {  	s0 =	rddreg [dreg:$0x0]  }
0x2: {  	s2 =	rddreg [dreg:$0x1]  }
0x3: {  	s1 =	srdreg.scid;
	s3 =	rddreg [dreg:$0x2]  }
0x4: {  	s12 =	stileid.u32;
	s4 =	rddreg [dreg:$0x3]  }
0x5: {  	s5 =	simm.s32 $0x0;
	s28 =	simm.s32 $0x80;
	s7 =	smul.u32 $0x14000, s12  }
0x6: {  	s29 =	simm.s32 $0x180;
	s30 =	simm.s32 $0x200;
	s10 =	smul.u32 $0x50000, s12  }
0x7: {  	s31 =	simm.s32 $0x5;
	s1 =	sand.u32 $0x1, s1;
	s21 =	smul.u32 $0x2780, s12  }
0x8: {  	[smem:$0x7FF] =	sst s5;
	s6 =	smul.u32 $0x140000, s1;
	s8 =	sshll.u32 s1, $0x4  }
0x9: {  	_ =	strace $0x80000047;
	s15 =	ssub.s32 $0x2, s1;
	s1 =	smul.u32 $0x27800, s1  }
0xa: {  	s13 =	sor.u32 s12, s8;
	s9 =	sshrl.u32 s15, $0x1;
	s19 =	sshrl.u32 s10, $0x2  }
0xb: {  	s10 =	simm.s32 $0x4;
	s12 =	simm.s32 $0x0;
	s6 =	sadd.s32 s7, s6  }
0xc: {  	s7 =	smul.u32 $0x2780, s13;
	s8 =	ssub.s32 s15, s9;
	s11 =	sadd.s32 s19, s4  }
0xd: {  	s1 =	sadd.s32 s21, s1;
	s14 =	sshrl.u32 s6, $0x3;
	s20 =	sadd.s32 $0x4000, s11  }
0xe: {  	s6 =	sadd.s32 $0xA00, s3;
	s22 =	sadd.s32 $0x6000, s11;
	[dreg:$0xa] =	wrdreg s20  }
0xf: {  	s23 =	sadd.s32 $0x8000, s11;
	s24 =	sadd.s32 $0xA000, s11;
	[dreg:$0xb] =	wrdreg s22  }
0x10: {  	s25 =	sadd.s32 $0xC000, s11;
	s19 =	sadd.s32 $0x10000, s11;
	[dreg:$0xc] =	wrdreg s23  }
0x11: {  	s3 =	sadd.s32 s14, s3;
	s7 =	sshrl.u32 s7, $0x3;
	[dreg:$0xd] =	wrdreg s24  }
0x12: {  	[dreg:$0xe] =	wrdreg s25;
	s20 =	sadd.s32 $0x12000, s11;
	s16 =	sadd.s32 s2, s7  }
0x13: {  	s17 =	sor.u32 $0x8, s7;
	s7 =	sadd.s32 s6, s7;
	[dreg:$0x5] =	wrdreg s16  }
0x14: {  	s22 =	smax.u32 s8, $0x1;
	[dreg:$0x6] =	wrdreg s7;
	s18 =	sadd.s32 s2, s17  }
0x15: {  	s25 =	sadd.s32 $0x80, s1;
	s9 =	sadd.s32 s6, s17;
	[dreg:$0x7] =	wrdreg s18  }
0x16: {  	s8 =	simm.s32 $0x2;
	s7 =	sadd.s32 $0x2000, s11;
	[dreg:$0x8] =	wrdreg s9  }
0x17: {  	s21 =	sadd.s32 $0xA800, s3;
	s3 =	simm.s32 $0x1;
	[dreg:$0x9] =	wrdreg s7  }
0x18: {  	s18 =	sadd.s32 $0xE000, s11;
	s7 =	sadd.s32 $0xC0, s1;
	s1 =	simm.s32 $0x40  }
0x19: {  	s9 =	simm.s32 $0x2200;
	s26 =	sshrl.u32 s7, $0x3;
	s7 =	simm.s32 $0x3  }
0x1a: {  	v0 =	vimm.f32 $0.0e+00;
	s23 =	sadd.s32 s26, s6;
	s24 =	sadd.s32 s26, s2;
	s26 =	simm.s32 $0x100  }
.LBB2_1:
0x1b: {  	s13 =	rddreg [dreg:$0x5]  }
0x1c: {  	[tilespmem:s5], [sflag:$0x1] =	stream.linear.gather [hbm4b:s13+s5], $0x40, $0x38;
	[tilespmem:$0x18200] =	vst v63  }
0x1d: {  	s15 =	rddreg [dreg:$0x6]  }
0x1e: {  	[tilespmem:s26], [sflag:$0x1] =	stream.linear.gather [hbm4b:s15+s5], $0x40, $0x38;
	[tilespmem:$0x18200] =	vst v63  }
0x1f: {  	s16 =	rddreg [dreg:$0x7]  }
0x20: {  	[tilespmem:s28], [sflag:$0x2] =	stream.linear.gather [hbm4b:s16+s5], $0x40, $0x38;
	[tilespmem:$0x18200] =	vst v63  }
0x21: {  	s17 =	rddreg [dreg:$0x8];
	s14 =	simm.s32 $0x200;
	s13 =	simm.s32 $0x0  }
0x22: {  	[tilespmem:s29], [sflag:$0x2] =	stream.linear.gather [hbm4b:s17+s5], $0x40, $0x38;
	[tilespmem:$0x18200] =	vst v63  }
.LBB2_2:
0x23: {  	p0 =	sne.s32 s14, $0x7E00;
	[tilespmem:s13+$0x270] =	vst v0  }
0x24: {  	[tilespmem:s13+$0x200] =	vst v0  }
0x25: {  	[tilespmem:s13+$0x210] =	vst v0  }
.Ltmp0:
0x26: {  	[tilespmem:s13+$0x220] =	vst v0;
	(pc) =	sbr.rel @p0 .LBB2_2-.Ltmp0, $4  }
0x27: {  	[tilespmem:s13+$0x230] =	vst v0  }
0x28: {  	[tilespmem:s13+$0x240] =	vst v0  }
0x29: {  	[tilespmem:s13+$0x250] =	vst v0  }
0x2a: {  	[tilespmem:s13+$0x260] =	vst v0;
	s13 =	sshra.s32 s14, $0x2;
	s14 =	sadd.s32 $0x200, s14  }
0x2b: {  	[tilespmem:s13+$0x270] =	vst v0  }
0x2c: {  	[tilespmem:s13+$0x200] =	vst v0  }
0x2d: {  	[tilespmem:s13+$0x210] =	vst v0  }
0x2e: {  	[tilespmem:s13+$0x220] =	vst v0  }
0x2f: {  	[tilespmem:s13+$0x230] =	vst v0  }
0x30: {  	[tilespmem:s13+$0x240] =	vst v0  }
0x31: {  	[tilespmem:s13+$0x250] =	vst v0  }
0x32: {  	[tilespmem:s13+$0x260] =	vst v0  }
0x33: {  	[spmem:s11] =	stream.linear.scatter [tilespmem:s30], [sflag:$0x5], $0x2000, $0x38;
	[tilespmem:$0x18200] =	vst v63  }
0x34: {  	_ =	swait.ge [sflag:s31], $0x2000  }
0x35: {  	[sflag:s31] =	ssyncset.done $0x0  }
0x36: {  	s17 =	rddreg [dreg:$0x9];
	[sflag:s31] =	ssyncadd.s32 $0xFFFFE000  }
0x37: {  	[spmem:s17] =	stream.linear.scatter [tilespmem:s30], [sflag:$0x5], $0x2000, $0x38;
	[tilespmem:$0x18200] =	vst v63  }
0x38: {  	_ =	swait.ge [sflag:s31], $0x2000  }
0x39: {  	[sflag:s31] =	ssyncset.done $0x0  }
0x3a: {  	s14 =	rddreg [dreg:$0xa];
	[sflag:s31] =	ssyncadd.s32 $0xFFFFE000  }
0x3b: {  	[spmem:s14] =	stream.linear.scatter [tilespmem:s30], [sflag:$0x5], $0x2000, $0x38;
	[tilespmem:$0x18200] =	vst v63  }
0x3c: {  	_ =	swait.ge [sflag:s31], $0x2000  }
0x3d: {  	[sflag:s31] =	ssyncset.done $0x0  }
0x3e: {  	s15 =	rddreg [dreg:$0xb];
	[sflag:s31] =	ssyncadd.s32 $0xFFFFE000  }
0x3f: {  	[spmem:s15] =	stream.linear.scatter [tilespmem:s30], [sflag:$0x5], $0x2000, $0x38;
	[tilespmem:$0x18200] =	vst v63  }
0x40: {  	_ =	swait.ge [sflag:s31], $0x2000  }
0x41: {  	[sflag:s31] =	ssyncset.done $0x0  }
0x42: {  	s16 =	rddreg [dreg:$0xc];
	[sflag:s31] =	ssyncadd.s32 $0xFFFFE000  }
0x43: {  	[spmem:s16] =	stream.linear.scatter [tilespmem:s30], [sflag:$0x5], $0x2000, $0x38;
	[tilespmem:$0x18200] =	vst v63  }
0x44: {  	_ =	swait.ge [sflag:s31], $0x2000  }
0x45: {  	[sflag:s31] =	ssyncset.done $0x0  }
0x46: {  	s17 =	rddreg [dreg:$0xd];
	[sflag:s31] =	ssyncadd.s32 $0xFFFFE000  }
0x47: {  	[spmem:s17] =	stream.linear.scatter [tilespmem:s30], [sflag:$0x5], $0x2000, $0x38;
	[tilespmem:$0x18200] =	vst v63  }
0x48: {  	_ =	swait.ge [sflag:s31], $0x2000  }
0x49: {  	[sflag:s31] =	ssyncset.done $0x0  }
0x4a: {  	s14 =	rddreg [dreg:$0xe];
	[sflag:s31] =	ssyncadd.s32 $0xFFFFE000  }
0x4b: {  	[spmem:s14] =	stream.linear.scatter [tilespmem:s30], [sflag:$0x5], $0x2000, $0x38;
	[tilespmem:$0x18200] =	vst v63  }
0x4c: {  	_ =	swait.ge [sflag:s31], $0x2000  }
0x4d: {  	[sflag:s31] =	ssyncset.done $0x0  }
0x4e: {  	[sflag:s31] =	ssyncadd.s32 $0xFFFFE000  }
0x4f: {  	[spmem:s18] =	stream.linear.scatter [tilespmem:s30], [sflag:$0x5], $0x2000, $0x38;
	[tilespmem:$0x18200] =	vst v63  }
0x50: {  	_ =	swait.ge [sflag:s31], $0x2000  }
0x51: {  	[sflag:s31] =	ssyncset.done $0x0  }
0x52: {  	[sflag:s31] =	ssyncadd.s32 $0xFFFFE000  }
0x53: {  	[spmem:s19] =	stream.linear.scatter [tilespmem:s30], [sflag:$0x5], $0x2000, $0x38;
	[tilespmem:$0x18200] =	vst v63  }
0x54: {  	_ =	swait.ge [sflag:s31], $0x2000  }
0x55: {  	[sflag:s31] =	ssyncset.done $0x0  }
0x56: {  	[sflag:s31] =	ssyncadd.s32 $0xFFFFE000  }
0x57: {  	[spmem:s20] =	stream.linear.scatter [tilespmem:s30], [sflag:$0x5], $0x2000, $0x38;
	[tilespmem:$0x18200] =	vst v63  }
0x58: {  	_ =	swait.ge [sflag:s31], $0x2000  }
0x59: {  	[sflag:s31] =	ssyncset.done $0x0  }
0x5a: {  	[sflag:s31] =	ssyncadd.s32 $0xFFFFE000  }
0x5b: {  	[bflag:$0x0] =	sbarrier.arrive $0xFFFF  }
0x5c: {  	_ =	swait.ge [sflag:s3], $0x40  }
0x5d: {  	[sflag:s3] =	ssyncset.done $0x0  }
0x5e: {  	[sflag:s3] =	ssyncadd.s32 $0xFFFFFFC0  }
0x5f: {  	_ =	swait.ge [sflag:s3], $0x40  }
0x60: {  	[sflag:s3] =	ssyncset.done $0x0  }
0x61: {  	s15 =	simm.s32 $0x0;
	[sflag:s3] =	ssyncadd.s32 $0xFFFFFFC0  }
0x62: {  	[tilespmem:s30], [sflag:$0x3] =	stream.indirect.gather [hbm4b:s0+s1], $0x80, s15, s1, $0xb8;
	[tilespmem:$0x18200] =	vst v63  }
0x63: {  	_ =	swait.ge [sflag:s7], $0x2000  }
0x64: {  	[sflag:s7] =	ssyncset.done $0x0  }
0x65: {  	[sflag:s7] =	ssyncadd.s32 $0xFFFFE000  }
0x66: {  	_ =	swait.ge [sflag:s8], $0x40  }
0x67: {  	[sflag:s8] =	ssyncset.done $0x0  }
0x68: {  	[sflag:s8] =	ssyncadd.s32 $0xFFFFFFC0  }
0x69: {  	_ =	swait.ge [sflag:s8], $0x40  }
0x6a: {  	[sflag:s8] =	ssyncset.done $0x0  }
0x6b: {  	[sflag:s8] =	ssyncadd.s32 $0xFFFFFFC0  }
0x6c: {  	[tilespmem:s9], [sflag:$0x4] =	stream.indirect.gather [hbm4b:s0+s1], $0x80, s28, s1, $0xb8;
	[tilespmem:$0x18200] =	vst v63  }
0x6d: {  	_ = 	snop  }
0x6e: {  	[spmem:s4] =	stream.indirect.scatter.add.f32 [tilespmem:s30], [sflag:$0x5], $0x80, s26, s1, $0xb8;
	[tilespmem:$0x18200] =	vst v63  }
0x6f: {  	_ =	swait.ge [sflag:s31], $0x2000  }
0x70: {  	s16 =	sshrl.u32 s25, $0x3;
	[sflag:s31] =	ssyncset.done $0x0  }
0x71: {  	s14 =	sadd.s32 s2, s16;
	[sflag:s31] =	ssyncadd.s32 $0xFFFFE000  }
0x72: {  	[tilespmem:s5], [sflag:$0x1] =	stream.linear.gather [hbm4b:s14+s5], $0x40, $0x38;
	[tilespmem:$0x18200] =	vst v63  }
0x73: {  	s13 =	sadd.s32 s6, s16  }
0x74: {  	[tilespmem:s26], [sflag:$0x1] =	stream.linear.gather [hbm4b:s13+s5], $0x40, $0x38;
	[tilespmem:$0x18200] =	vst v63  }
0x75: {  	_ =	swait.ge [sflag:s10], $0x2000  }
0x76: {  	[sflag:s10] =	ssyncset.done $0x0  }
0x77: {  	[sflag:s10] =	ssyncadd.s32 $0xFFFFE000  }
0x78: {  	_ =	swait.ge [sflag:s3], $0x40  }
0x79: {  	[sflag:s3] =	ssyncset.done $0x0  }
0x7a: {  	[sflag:s3] =	ssyncadd.s32 $0xFFFFFFC0  }
0x7b: {  	_ =	swait.ge [sflag:s3], $0x40  }
0x7c: {  	[sflag:s3] =	ssyncset.done $0x0  }
0x7d: {  	[sflag:s3] =	ssyncadd.s32 $0xFFFFFFC0  }
0x7e: {  	[tilespmem:s30], [sflag:$0x3] =	stream.indirect.gather [hbm4b:s0+s1], $0x80, s5, s1, $0xb8;
	[tilespmem:$0x18200] =	vst v63  }
0x7f: {  	_ = 	snop  }
0x80: {  	[spmem:s4] =	stream.indirect.scatter.add.f32 [tilespmem:s9], [sflag:$0x5], $0x80, s29, s1, $0xb8;
	[tilespmem:$0x18200] =	vst v63  }
0x81: {  	_ =	swait.ge [sflag:s31], $0x2000  }
0x82: {  	s17 =	sadd.s32 $0x0, s24;
	s15 =	sadd.s32 $0x0, s23;
	[sflag:s31] =	ssyncset.done $0x0  }
0x83: {  	s14 =	sadd.s32 $0x80, s25;
	s13 =	simm.s32 $0x10;
	[sflag:s31] =	ssyncadd.s32 $0xFFFFE000  }
0x84: {  	[tilespmem:s28], [sflag:$0x2] =	stream.linear.gather [hbm4b:s17+s5], $0x40, $0x38;
	[tilespmem:$0x18200] =	vst v63  }
.LBB2_4:
0x85: {  	[tilespmem:s29], [sflag:$0x2] =	stream.linear.gather [hbm4b:s15+s5], $0x40, $0x38;
	[tilespmem:$0x18200] =	vst v63  }
0x86: {  	s15 =	smov.u32 s13  }
0x87: {  	p0 =	sne.s32 s13, $0x4D0;
	s13 =	sadd.s32 $0x10, s13;
	_ =	swait.ge [sflag:s7], $0x2000  }
0x88: {  	[sflag:s7] =	ssyncset.done $0x0  }
0x89: {  	[sflag:s7] =	ssyncadd.s32 $0xFFFFE000  }
0x8a: {  	_ =	swait.ge [sflag:s8], $0x40  }
0x8b: {  	[sflag:s8] =	ssyncset.done $0x0  }
0x8c: {  	[sflag:s8] =	ssyncadd.s32 $0xFFFFFFC0  }
0x8d: {  	_ =	swait.ge [sflag:s8], $0x40  }
0x8e: {  	[sflag:s8] =	ssyncset.done $0x0  }
0x8f: {  	[sflag:s8] =	ssyncadd.s32 $0xFFFFFFC0  }
0x90: {  	[tilespmem:s9], [sflag:$0x4] =	stream.indirect.gather [hbm4b:s0+s1], $0x80, s28, s1, $0xb8;
	[tilespmem:$0x18200] =	vst v63  }
0x91: {  	_ = 	snop  }
0x92: {  	[spmem:s4] =	stream.indirect.scatter.add.f32 [tilespmem:s30], [sflag:$0x5], $0x80, s26, s1, $0xb8;
	[tilespmem:$0x18200] =	vst v63  }
0x93: {  	_ =	swait.ge [sflag:s31], $0x2000  }
0x94: {  	s16 =	sshrl.u32 s14, $0x3;
	[sflag:s31] =	ssyncset.done $0x0  }
0x95: {  	s17 =	sadd.s32 s2, s16;
	[sflag:s31] =	ssyncadd.s32 $0xFFFFE000  }
0x96: {  	[tilespmem:s5], [sflag:$0x1] =	stream.linear.gather [hbm4b:s17+s5], $0x40, $0x38;
	[tilespmem:$0x18200] =	vst v63  }
0x97: {  	s16 =	sadd.s32 s6, s16  }
0x98: {  	[tilespmem:s26], [sflag:$0x1] =	stream.linear.gather [hbm4b:s16+s5], $0x40, $0x38;
	[tilespmem:$0x18200] =	vst v63  }
0x99: {  	_ =	swait.ge [sflag:s10], $0x2000  }
0x9a: {  	[sflag:s10] =	ssyncset.done $0x0  }
0x9b: {  	[sflag:s10] =	ssyncadd.s32 $0xFFFFE000  }
0x9c: {  	_ =	swait.ge [sflag:s3], $0x40  }
0x9d: {  	[sflag:s3] =	ssyncset.done $0x0  }
0x9e: {  	[sflag:s3] =	ssyncadd.s32 $0xFFFFFFC0  }
0x9f: {  	_ =	swait.ge [sflag:s3], $0x40  }
0xa0: {  	[sflag:s3] =	ssyncset.done $0x0  }
0xa1: {  	[sflag:s3] =	ssyncadd.s32 $0xFFFFFFC0  }
0xa2: {  	[tilespmem:s30], [sflag:$0x3] =	stream.indirect.gather [hbm4b:s0+s1], $0x80, s5, s1, $0xb8;
	[tilespmem:$0x18200] =	vst v63  }
0xa3: {  	_ = 	snop  }
0xa4: {  	[spmem:s4] =	stream.indirect.scatter.add.f32 [tilespmem:s9], [sflag:$0x5], $0x80, s29, s1, $0xb8;
	[tilespmem:$0x18200] =	vst v63  }
.Ltmp1:
0xa5: {  	_ =	swait.ge [sflag:s31], $0x2000;
	(pc) =	sbr.rel @p0 .LBB2_4-.Ltmp1, $4  }
0xa6: {  	[sflag:s31] =	ssyncset.done $0x0  }
0xa7: {  	s16 =	sadd.s32 s15, s24;
	[sflag:s31] =	ssyncadd.s32 $0xFFFFE000  }
0xa8: {  	[tilespmem:s28], [sflag:$0x2] =	stream.linear.gather [hbm4b:s16+s5], $0x40, $0x38;
	[tilespmem:$0x18200] =	vst v63  }
0xa9: {  	s14 =	sadd.s32 $0x80, s14;
	s15 =	sadd.s32 s15, s23  }
0xaa: {  	[tilespmem:s29], [sflag:$0x2] =	stream.linear.gather [hbm4b:s15+s5], $0x40, $0x38;
	[tilespmem:$0x18200] =	vst v63  }
0xab: {  	_ =	swait.ge [sflag:s7], $0x2000  }
0xac: {  	[sflag:s7] =	ssyncset.done $0x0  }
0xad: {  	[sflag:s7] =	ssyncadd.s32 $0xFFFFE000  }
0xae: {  	_ =	swait.ge [sflag:s8], $0x40  }
0xaf: {  	[sflag:s8] =	ssyncset.done $0x0  }
0xb0: {  	[sflag:s8] =	ssyncadd.s32 $0xFFFFFFC0  }
0xb1: {  	_ =	swait.ge [sflag:s8], $0x40  }
0xb2: {  	[sflag:s8] =	ssyncset.done $0x0  }
0xb3: {  	[sflag:s8] =	ssyncadd.s32 $0xFFFFFFC0  }
0xb4: {  	[tilespmem:s9], [sflag:$0x4] =	stream.indirect.gather [hbm4b:s0+s1], $0x80, s28, s1, $0xb8;
	[tilespmem:$0x18200] =	vst v63  }
0xb5: {  	_ = 	snop  }
0xb6: {  	[spmem:s4] =	stream.indirect.scatter.add.f32 [tilespmem:s30], [sflag:$0x5], $0x80, s26, s1, $0xb8;
	[tilespmem:$0x18200] =	vst v63  }
0xb7: {  	_ =	swait.ge [sflag:s31], $0x2000  }
0xb8: {  	[sflag:s31] =	ssyncset.done $0x0  }
0xb9: {  	[sflag:s31] =	ssyncadd.s32 $0xFFFFE000  }
0xba: {  	_ =	swait.ge [sflag:s10], $0x2000  }
0xbb: {  	[sflag:s10] =	ssyncset.done $0x0  }
0xbc: {  	[sflag:s10] =	ssyncadd.s32 $0xFFFFE000  }
0xbd: {  	[spmem:s4] =	stream.indirect.scatter.add.f32 [tilespmem:s9], [sflag:$0x5], $0x80, s29, s1, $0xb8;
	[tilespmem:$0x18200] =	vst v63  }
0xbe: {  	s13 =	stileid.u32;
	_ =	swait.ge [sflag:s31], $0x2000  }
0xbf: {  	s14 =	sshrl.u32 s11, $0x3;
	s12 =	sadd.s32 $0x1, s12;
	[sflag:s31] =	ssyncset.done $0x0  }
0xc0: {  	s13 =	sshll.u32 s13, $0x6;
	p0 =	sne.s32 s12, s22;
	[sflag:s31] =	ssyncadd.s32 $0xFFFFE000  }
.Ltmp2:
0xc1: {  	s13 =	sor.u32 $0x1C05, s13;
	[bflag:$0x0] =	sbarrier.arrive $0xFFFF;
	(pc) =	sbr.rel @p0 .LBB2_1-.Ltmp2, $4  }
0xc2: {  	[hbm:s21], [sflag:s13] =	dma.local [spmem:s14], $0x2800  }
0xc3: {  	_ =	swait.ge [sflag:s31], $0x2800  }
0xc4: {  	[sflag:s31] =	ssyncset.done $0x0  }
0xc5: {  	[sflag:s31] =	ssyncadd.s32 $0xFFFFD800  }
0xc6: {  	_ =	sfence.sel $0x180000  }
0xc7: {  	[bflag:$0x0] =	sbarrier.arrive $0xFFFF  }
0xc8: {  	_ =	strace $0x90000047  }
0xc9: {  	s0 =	stileid.u32;
	[bflag:$0x2] =	sbarrier.arrive $0xFFFF  }
0xca: {  	p0 =	sne.s32 s0, $0x0;
	s0 =	rddreg [dreg:$0x4]  }
0xcb: {  	s0 =	sadd.s32 @!p0 $0x100000, s0  }
0xcc: {  	[sflag:s0] =	ssyncadd.tile.s32 @!p0 $0x1;
	_ =	shalt  }
.Lfunc_end2:
_tile_overlayer_lowered:
.L_overlay_start_2:
0xcd: {  	(tag) =	ssettag $0x2  }
0xce: {  	s0 =	rddreg [dreg:$0x0];
	s2 =	stileid.u32  }
0xcf: {  	s1 =	rddreg [dreg:$0x1];
	p0 =	sne.s32 s2, $0x0  }
0xd0: {  	s3 =	rddreg [dreg:$0x2];
	[bflag:$0x3] =	sbarrier.arrive $0xFFFF;
	s2 =	simm.s32 @!p0 $0x1C05  }
0xd1: {  	[timem:s3], [sflag:s2] =	dma.local @!p0 [hbm:s0], s1  }
0xd2: {  	s0 =	simm.s32 @!p0 $0x5  }
0xd3: {  	_ =	swait.ge @!p0 [sflag:s0], s1  }
0xd4: {  	s1 =	ssub.s32 @!p0 $0x0, s1;
	[sflag:s0] =	ssyncset.done @!p0 $0x0  }
0xd5: {  	[sflag:s0] =	ssyncadd.s32 @!p0 s1  }
0xd6: {  	[bflag:$0x3] =	sbarrier.arrive $0xFFFF  }
0xd7: {  	_ =	shalt  }

</sc_bundles>
